<compile_context>
chip_gen: v7x
topology: tpu7x:2x2x1
jax: 0.10.2.dev20260603
libtpu: 0.0.44.dev20260713+nightly
codegen_flags: <defaults>
</compile_context>

<pallas_src>
import functools

import jax
import jax.numpy as jnp
from jax import lax
from jax.experimental import pallas as pl
from jax.experimental.pallas import tpu as pltpu
from jax.experimental.pallas import tpu_sc as plsc

N_VOCAB = 100000
N_EMBD = 768
N_TOKENS = 2048
BATCH = 4

ROWS = BATCH * N_TOKENS
NC = 2
NS = 16
NW = NC * NS
T_PER_W = N_TOKENS // NW
CHUNK = 32
HALVES = T_PER_W // CHUNK
NCHUNK = BATCH * HALVES
NBUF = 4

_mesh = plsc.VectorSubcoreMesh(core_axis_name="c", subcore_axis_name="s")


@functools.partial(
    pl.kernel,
    mesh=_mesh,
    out_type=jax.ShapeDtypeStruct((ROWS, N_EMBD), jnp.float32),
    scratch_types=[
        pltpu.VMEM((BATCH * T_PER_W,), jnp.int32),
        pltpu.VMEM((CHUNK, N_EMBD), jnp.float32),
        pltpu.VMEM((CHUNK, N_EMBD), jnp.float32),
        pltpu.VMEM((CHUNK, N_EMBD), jnp.float32),
        pltpu.VMEM((CHUNK, N_EMBD), jnp.float32),
        pltpu.SemaphoreType.DMA,
        pltpu.SemaphoreType.DMA,
        pltpu.SemaphoreType.DMA,
        pltpu.SemaphoreType.DMA,
        pltpu.SemaphoreType.DMA,
        pltpu.SemaphoreType.DMA,
        pltpu.SemaphoreType.DMA,
        pltpu.SemaphoreType.DMA,
        pltpu.SemaphoreType.DMA,
        pltpu.SemaphoreType.DMA,
        pltpu.SemaphoreType.DMA,
        pltpu.SemaphoreType.DMA,
        pltpu.SemaphoreType.DMA,
    ],
)
def _embed(tokens_hbm, table_hbm, pos_hbm, out_hbm,
           idx_v, rows0, rows1, rows2, rows3,
           isem,
           fsem0, fsem1, fsem2, fsem3,
           gsem0, gsem1, gsem2, gsem3,
           osem0, osem1, osem2, osem3):
    wid = lax.axis_index("s") * NC + lax.axis_index("c")
    t0 = wid * T_PER_W
    rows = (rows0, rows1, rows2, rows3)
    fsem = (fsem0, fsem1, fsem2, fsem3)
    gsem = (gsem0, gsem1, gsem2, gsem3)
    osem = (osem0, osem1, osem2, osem3)

    icopies = [
        pltpu.async_copy(
            tokens_hbm.at[pl.ds(b * N_TOKENS + t0, T_PER_W)],
            idx_v.at[pl.ds(b * T_PER_W, T_PER_W)], isem)
        for b in range(BATCH)
    ]
    for ic in icopies:
        ic.wait()

    chunks = [(b, h) for b in range(BATCH) for h in range(HALVES)]

    def start_fill(c):
        _, h = chunks[c]
        return pltpu.async_copy(
            pos_hbm.at[pl.ds(t0 + h * CHUNK, CHUNK)], rows[c % NBUF],
            fsem[c % NBUF])

    def start_gather(c):
        b, h = chunks[c]
        return pltpu.async_copy(
            table_hbm.at[idx_v.at[pl.ds(b * T_PER_W + h * CHUNK, CHUNK)]],
            rows[c % NBUF], gsem[c % NBUF], add=True)

    def start_drain(c):
        b, h = chunks[c]
        return pltpu.async_copy(
            rows[c % NBUF],
            out_hbm.at[pl.ds(b * N_TOKENS + t0 + h * CHUNK, CHUNK)],
            osem[c % NBUF])

    f_fly = {c: start_fill(c) for c in range(NBUF)}
    g_fly = {}
    o_fly = {}
    for c in range(2):
        f_fly.pop(c).wait()
        g_fly[c] = start_gather(c)

    for c in range(NCHUNK):
        with jax.named_scope(f"g_wait{c}"):
            g_fly.pop(c).wait()
        o_fly[c] = start_drain(c)
        with jax.named_scope(f"issue{c}"):
            if c + 2 < NCHUNK:
                f_fly.pop(c + 2).wait()
                g_fly[c + 2] = start_gather(c + 2)
            if c + NBUF < NCHUNK:
                o_fly.pop(c).wait()
                f_fly[c + NBUF] = start_fill(c + NBUF)
    for c in list(o_fly):
        o_fly.pop(c).wait()


def kernel(tokens, token_embedding, pos_embedding):
    flat = tokens.reshape(-1).astype(jnp.int32)
    out = _embed(flat, token_embedding, pos_embedding)
    return out.reshape(BATCH, N_TOKENS, N_EMBD)

# --- scband reference (transcript-rebuilt; emitter-appended) ---
"""Pipeline reference for scband-clipembedding-43439299232384 (READ-ONLY COPY).

The authoritative reference and input builder live on the scoring server;
editing this copy changes nothing except your own understanding.
"""

import jax, jax.numpy as jnp
import numpy as np

N_VOCAB = 100000
N_EMBD = 768
N_TOKENS = 2048
BATCH = 4

def setup_inputs(seed: int = 0) -> dict:
    key = jax.random.key(seed)
    k1, k2, k3 = jax.random.split(key, 3)
    tokens = jax.random.randint(k1, (BATCH, N_TOKENS), 0, N_VOCAB, dtype=jnp.int64 if jax.config.jax_enable_x64 else jnp.int32)
    token_embedding = jax.random.normal(k2, (N_VOCAB, N_EMBD), dtype=jnp.float32) * 0.02
    # Module initializes pos_embedding to zeros; keep faithful but allow nonzero for numerics check
    pos_embedding = jnp.zeros((N_TOKENS, N_EMBD), dtype=jnp.float32)
    return {"tokens": tokens, "token_embedding": token_embedding, "pos_embedding": pos_embedding}

def reference(tokens, token_embedding, pos_embedding):
    # x = self.token_embedding(tokens)
    x = jnp.take(token_embedding, tokens, axis=0)  # [B, T, D]
    # x += self.pos_embedding  (broadcast over batch)
    x = x + pos_embedding[None, :, :]
    return x

if __name__ == "__main__":
    import jax
    _d = setup_inputs()
    print(jax.jit(kernel)(*tuple(_d.values())))

</pallas_src>

<mosaic_0001>
#map = affine_map<(d0, d1) -> (0)>
#map1 = affine_map<(d0, d1) -> (0, 0)>
module attributes {stable_mosaic.version = 14 : i64} {
  func.func @_embed(%arg0: i32, %arg1: i32, %arg2: memref<8192xi32, #tpu.memory_space<hbm>>, %arg3: memref<100000x768xf32, #tpu.memory_space<hbm>>, %arg4: memref<2048x768xf32, #tpu.memory_space<hbm>>, %arg5: memref<8192x768xf32, #tpu.memory_space<hbm>>, %arg6: memref<256xi32, #tpu.memory_space<vmem>>, %arg7: memref<32x768xf32, #tpu.memory_space<vmem>>, %arg8: memref<32x768xf32, #tpu.memory_space<vmem>>, %arg9: memref<32x768xf32, #tpu.memory_space<vmem>>, %arg10: memref<32x768xf32, #tpu.memory_space<vmem>>, %arg11: memref<!tpu.dma_semaphore, #tpu.memory_space<semaphore_mem>>, %arg12: memref<!tpu.dma_semaphore, #tpu.memory_space<semaphore_mem>>, %arg13: memref<!tpu.dma_semaphore, #tpu.memory_space<semaphore_mem>>, %arg14: memref<!tpu.dma_semaphore, #tpu.memory_space<semaphore_mem>>, %arg15: memref<!tpu.dma_semaphore, #tpu.memory_space<semaphore_mem>>, %arg16: memref<!tpu.dma_semaphore, #tpu.memory_space<semaphore_mem>>, %arg17: memref<!tpu.dma_semaphore, #tpu.memory_space<semaphore_mem>>, %arg18: memref<!tpu.dma_semaphore, #tpu.memory_space<semaphore_mem>>, %arg19: memref<!tpu.dma_semaphore, #tpu.memory_space<semaphore_mem>>, %arg20: memref<!tpu.dma_semaphore, #tpu.memory_space<semaphore_mem>>, %arg21: memref<!tpu.dma_semaphore, #tpu.memory_space<semaphore_mem>>, %arg22: memref<!tpu.dma_semaphore, #tpu.memory_space<semaphore_mem>>, %arg23: memref<!tpu.dma_semaphore, #tpu.memory_space<semaphore_mem>>) attributes {dimension_semantics = [#tpu.dimension_semantics<core_parallel>, #tpu.dimension_semantics<subcore_parallel>], iteration_bounds = array<i64: 2, 16>, scalar_prefetch = 0 : i64, scratch_operands = 18 : i64, tpu.core_type = #tpu.core_type<sc_vector_subcore>, window_params = [{transform_indices = #map}, {transform_indices = #map1}, {transform_indices = #map1}, {transform_indices = #map1}]} {
    %mul3A = arith.constant 2 : i32
    %mul3A_0 = arith.muli %arg1, %mul3A : i32
    %add3A = arith.addi %mul3A_0, %arg0 : i32
    %mul3A_1 = arith.constant 64 : i32
    %mul3A_2 = arith.muli %add3A, %mul3A_1 : i32
    %add3A_3 = arith.constant 0 : i32
    %add3A_4 = arith.addi %add3A_3, %mul3A_2 : i32
    %dma_start3A = arith.constant 0 : i32
    %dma_start3A_5 = tpu.memref_slice %arg6[%dma_start3A] : memref<256xi32, #tpu.memory_space<vmem>> -> memref<64xi32, #tpu.memory_space<vmem>>
    %dma_start3A_6 = tpu.memref_slice %arg2[%add3A_4] : memref<8192xi32, #tpu.memory_space<hbm>> -> memref<64xi32, #tpu.memory_space<hbm>>
    %dma_start3A_7 = arith.constant 0 : i32
    %dma_start3A_8 = tpu.memref_slice %arg6[%dma_start3A_7] : memref<256xi32, #tpu.memory_space<vmem>> -> memref<64xi32, #tpu.memory_space<vmem>>
    %dma_start3A_9 = tpu.memref_slice %arg2[%add3A_4] : memref<8192xi32, #tpu.memory_space<hbm>> -> memref<64xi32, #tpu.memory_space<hbm>>
    tpu.enqueue_dma source(%dma_start3A_9 : memref<64xi32, #tpu.memory_space<hbm>>) target(%dma_start3A_8 : memref<64xi32, #tpu.memory_space<vmem>>) target_semaphore(%arg11 : memref<!tpu.dma_semaphore, #tpu.memory_space<semaphore_mem>>)
    %add3A_10 = arith.constant 2048 : i32
    %add3A_11 = arith.addi %add3A_10, %mul3A_2 : i32
    %dma_start3A_12 = arith.constant 64 : i32
    %dma_start3A_13 = tpu.memref_slice %arg6[%dma_start3A_12] : memref<256xi32, #tpu.memory_space<vmem>> -> memref<64xi32, #tpu.memory_space<vmem>>
    %dma_start3A_14 = tpu.memref_slice %arg2[%add3A_11] : memref<8192xi32, #tpu.memory_space<hbm>> -> memref<64xi32, #tpu.memory_space<hbm>>
    %dma_start3A_15 = arith.constant 64 : i32
    %dma_start3A_16 = tpu.memref_slice %arg6[%dma_start3A_15] : memref<256xi32, #tpu.memory_space<vmem>> -> memref<64xi32, #tpu.memory_space<vmem>>
    %dma_start3A_17 = tpu.memref_slice %arg2[%add3A_11] : memref<8192xi32, #tpu.memory_space<hbm>> -> memref<64xi32, #tpu.memory_space<hbm>>
    tpu.enqueue_dma source(%dma_start3A_17 : memref<64xi32, #tpu.memory_space<hbm>>) target(%dma_start3A_16 : memref<64xi32, #tpu.memory_space<vmem>>) target_semaphore(%arg11 : memref<!tpu.dma_semaphore, #tpu.memory_space<semaphore_mem>>)
    %add3A_18 = arith.constant 4096 : i32
    %add3A_19 = arith.addi %add3A_18, %mul3A_2 : i32
    %dma_start3A_20 = arith.constant 128 : i32
    %dma_start3A_21 = tpu.memref_slice %arg6[%dma_start3A_20] : memref<256xi32, #tpu.memory_space<vmem>> -> memref<64xi32, #tpu.memory_space<vmem>>
    %dma_start3A_22 = tpu.memref_slice %arg2[%add3A_19] : memref<8192xi32, #tpu.memory_space<hbm>> -> memref<64xi32, #tpu.memory_space<hbm>>
    %dma_start3A_23 = arith.constant 128 : i32
    %dma_start3A_24 = tpu.memref_slice %arg6[%dma_start3A_23] : memref<256xi32, #tpu.memory_space<vmem>> -> memref<64xi32, #tpu.memory_space<vmem>>
    %dma_start3A_25 = tpu.memref_slice %arg2[%add3A_19] : memref<8192xi32, #tpu.memory_space<hbm>> -> memref<64xi32, #tpu.memory_space<hbm>>
    tpu.enqueue_dma source(%dma_start3A_25 : memref<64xi32, #tpu.memory_space<hbm>>) target(%dma_start3A_24 : memref<64xi32, #tpu.memory_space<vmem>>) target_semaphore(%arg11 : memref<!tpu.dma_semaphore, #tpu.memory_space<semaphore_mem>>)
    %add3A_26 = arith.constant 6144 : i32
    %add3A_27 = arith.addi %add3A_26, %mul3A_2 : i32
    %dma_start3A_28 = arith.constant 192 : i32
    %dma_start3A_29 = tpu.memref_slice %arg6[%dma_start3A_28] : memref<256xi32, #tpu.memory_space<vmem>> -> memref<64xi32, #tpu.memory_space<vmem>>
    %dma_start3A_30 = tpu.memref_slice %arg2[%add3A_27] : memref<8192xi32, #tpu.memory_space<hbm>> -> memref<64xi32, #tpu.memory_space<hbm>>
    %dma_start3A_31 = arith.constant 192 : i32
    %dma_start3A_32 = tpu.memref_slice %arg6[%dma_start3A_31] : memref<256xi32, #tpu.memory_space<vmem>> -> memref<64xi32, #tpu.memory_space<vmem>>
    %dma_start3A_33 = tpu.memref_slice %arg2[%add3A_27] : memref<8192xi32, #tpu.memory_space<hbm>> -> memref<64xi32, #tpu.memory_space<hbm>>
    tpu.enqueue_dma source(%dma_start3A_33 : memref<64xi32, #tpu.memory_space<hbm>>) target(%dma_start3A_32 : memref<64xi32, #tpu.memory_space<vmem>>) target_semaphore(%arg11 : memref<!tpu.dma_semaphore, #tpu.memory_space<semaphore_mem>>)
    %dma_wait3A = arith.constant 0 : i32
    %dma_wait3A_34 = tpu.memref_slice %arg6[%dma_wait3A] : memref<256xi32, #tpu.memory_space<vmem>> -> memref<64xi32, #tpu.memory_space<vmem>>
    %dma_wait3A_35 = tpu.memref_slice %arg2[%add3A_4] : memref<8192xi32, #tpu.memory_space<hbm>> -> memref<64xi32, #tpu.memory_space<hbm>>
    %dma_wait3A_36 = arith.constant 0 : i32
    %dma_wait3A_37 = tpu.memref_slice %arg6[%dma_wait3A_36] : memref<256xi32, #tpu.memory_space<vmem>> -> memref<64xi32, #tpu.memory_space<vmem>>
    %dma_wait3A_38 = tpu.memref_slice %arg2[%add3A_4] : memref<8192xi32, #tpu.memory_space<hbm>> -> memref<64xi32, #tpu.memory_space<hbm>>
    tpu.wait_dma2 semaphore(%arg11 : memref<!tpu.dma_semaphore, #tpu.memory_space<semaphore_mem>>) src(%dma_wait3A_38 : memref<64xi32, #tpu.memory_space<hbm>>) dst(%dma_wait3A_37 : memref<64xi32, #tpu.memory_space<vmem>>)
    %dma_wait3A_39 = arith.constant 64 : i32
    %dma_wait3A_40 = tpu.memref_slice %arg6[%dma_wait3A_39] : memref<256xi32, #tpu.memory_space<vmem>> -> memref<64xi32, #tpu.memory_space<vmem>>
    %dma_wait3A_41 = tpu.memref_slice %arg2[%add3A_11] : memref<8192xi32, #tpu.memory_space<hbm>> -> memref<64xi32, #tpu.memory_space<hbm>>
    %dma_wait3A_42 = arith.constant 64 : i32
    %dma_wait3A_43 = tpu.memref_slice %arg6[%dma_wait3A_42] : memref<256xi32, #tpu.memory_space<vmem>> -> memref<64xi32, #tpu.memory_space<vmem>>
    %dma_wait3A_44 = tpu.memref_slice %arg2[%add3A_11] : memref<8192xi32, #tpu.memory_space<hbm>> -> memref<64xi32, #tpu.memory_space<hbm>>
    tpu.wait_dma2 semaphore(%arg11 : memref<!tpu.dma_semaphore, #tpu.memory_space<semaphore_mem>>) src(%dma_wait3A_44 : memref<64xi32, #tpu.memory_space<hbm>>) dst(%dma_wait3A_43 : memref<64xi32, #tpu.memory_space<vmem>>)
    %dma_wait3A_45 = arith.constant 128 : i32
    %dma_wait3A_46 = tpu.memref_slice %arg6[%dma_wait3A_45] : memref<256xi32, #tpu.memory_space<vmem>> -> memref<64xi32, #tpu.memory_space<vmem>>
    %dma_wait3A_47 = tpu.memref_slice %arg2[%add3A_19] : memref<8192xi32, #tpu.memory_space<hbm>> -> memref<64xi32, #tpu.memory_space<hbm>>
    %dma_wait3A_48 = arith.constant 128 : i32
    %dma_wait3A_49 = tpu.memref_slice %arg6[%dma_wait3A_48] : memref<256xi32, #tpu.memory_space<vmem>> -> memref<64xi32, #tpu.memory_space<vmem>>
    %dma_wait3A_50 = tpu.memref_slice %arg2[%add3A_19] : memref<8192xi32, #tpu.memory_space<hbm>> -> memref<64xi32, #tpu.memory_space<hbm>>
    tpu.wait_dma2 semaphore(%arg11 : memref<!tpu.dma_semaphore, #tpu.memory_space<semaphore_mem>>) src(%dma_wait3A_50 : memref<64xi32, #tpu.memory_space<hbm>>) dst(%dma_wait3A_49 : memref<64xi32, #tpu.memory_space<vmem>>)
    %dma_wait3A_51 = arith.constant 192 : i32
    %dma_wait3A_52 = tpu.memref_slice %arg6[%dma_wait3A_51] : memref<256xi32, #tpu.memory_space<vmem>> -> memref<64xi32, #tpu.memory_space<vmem>>
    %dma_wait3A_53 = tpu.memref_slice %arg2[%add3A_27] : memref<8192xi32, #tpu.memory_space<hbm>> -> memref<64xi32, #tpu.memory_space<hbm>>
    %dma_wait3A_54 = arith.constant 192 : i32
    %dma_wait3A_55 = tpu.memref_slice %arg6[%dma_wait3A_54] : memref<256xi32, #tpu.memory_space<vmem>> -> memref<64xi32, #tpu.memory_space<vmem>>
    %dma_wait3A_56 = tpu.memref_slice %arg2[%add3A_27] : memref<8192xi32, #tpu.memory_space<hbm>> -> memref<64xi32, #tpu.memory_space<hbm>>
    tpu.wait_dma2 semaphore(%arg11 : memref<!tpu.dma_semaphore, #tpu.memory_space<semaphore_mem>>) src(%dma_wait3A_56 : memref<64xi32, #tpu.memory_space<hbm>>) dst(%dma_wait3A_55 : memref<64xi32, #tpu.memory_space<vmem>>)
    %add3A_57 = arith.constant 0 : i32
    %add3A_58 = arith.addi %mul3A_2, %add3A_57 : i32
    %dma_start3A_59 = arith.constant 0 : i32
    %dma_start3A_60 = tpu.memref_slice %arg4[%add3A_58, %dma_start3A_59] : memref<2048x768xf32, #tpu.memory_space<hbm>> -> memref<32x768xf32, #tpu.memory_space<hbm>>
    %dma_start3A_61 = arith.constant 0 : i32
    %dma_start3A_62 = tpu.memref_slice %arg4[%add3A_58, %dma_start3A_61] : memref<2048x768xf32, #tpu.memory_space<hbm>> -> memref<32x768xf32, #tpu.memory_space<hbm>>
    tpu.enqueue_dma source(%dma_start3A_62 : memref<32x768xf32, #tpu.memory_space<hbm>>) target(%arg7 : memref<32x768xf32, #tpu.memory_space<vmem>>) target_semaphore(%arg12 : memref<!tpu.dma_semaphore, #tpu.memory_space<semaphore_mem>>)
    %add3A_63 = arith.constant 32 : i32
    %add3A_64 = arith.addi %mul3A_2, %add3A_63 : i32
    %dma_start3A_65 = arith.constant 0 : i32
    %dma_start3A_66 = tpu.memref_slice %arg4[%add3A_64, %dma_start3A_65] : memref<2048x768xf32, #tpu.memory_space<hbm>> -> memref<32x768xf32, #tpu.memory_space<hbm>>
    %dma_start3A_67 = arith.constant 0 : i32
    %dma_start3A_68 = tpu.memref_slice %arg4[%add3A_64, %dma_start3A_67] : memref<2048x768xf32, #tpu.memory_space<hbm>> -> memref<32x768xf32, #tpu.memory_space<hbm>>
    tpu.enqueue_dma source(%dma_start3A_68 : memref<32x768xf32, #tpu.memory_space<hbm>>) target(%arg8 : memref<32x768xf32, #tpu.memory_space<vmem>>) target_semaphore(%arg13 : memref<!tpu.dma_semaphore, #tpu.memory_space<semaphore_mem>>)
    %add3A_69 = arith.constant 0 : i32
    %add3A_70 = arith.addi %mul3A_2, %add3A_69 : i32
    %dma_start3A_71 = arith.constant 0 : i32
    %dma_start3A_72 = tpu.memref_slice %arg4[%add3A_70, %dma_start3A_71] : memref<2048x768xf32, #tpu.memory_space<hbm>> -> memref<32x768xf32, #tpu.memory_space<hbm>>
    %dma_start3A_73 = arith.constant 0 : i32
    %dma_start3A_74 = tpu.memref_slice %arg4[%add3A_70, %dma_start3A_73] : memref<2048x768xf32, #tpu.memory_space<hbm>> -> memref<32x768xf32, #tpu.memory_space<hbm>>
    tpu.enqueue_dma source(%dma_start3A_74 : memref<32x768xf32, #tpu.memory_space<hbm>>) target(%arg9 : memref<32x768xf32, #tpu.memory_space<vmem>>) target_semaphore(%arg14 : memref<!tpu.dma_semaphore, #tpu.memory_space<semaphore_mem>>)
    %add3A_75 = arith.constant 32 : i32
    %add3A_76 = arith.addi %mul3A_2, %add3A_75 : i32
    %dma_start3A_77 = arith.constant 0 : i32
    %dma_start3A_78 = tpu.memref_slice %arg4[%add3A_76, %dma_start3A_77] : memref<2048x768xf32, #tpu.memory_space<hbm>> -> memref<32x768xf32, #tpu.memory_space<hbm>>
    %dma_start3A_79 = arith.constant 0 : i32
    %dma_start3A_80 = tpu.memref_slice %arg4[%add3A_76, %dma_start3A_79] : memref<2048x768xf32, #tpu.memory_space<hbm>> -> memref<32x768xf32, #tpu.memory_space<hbm>>
    tpu.enqueue_dma source(%dma_start3A_80 : memref<32x768xf32, #tpu.memory_space<hbm>>) target(%arg10 : memref<32x768xf32, #tpu.memory_space<vmem>>) target_semaphore(%arg15 : memref<!tpu.dma_semaphore, #tpu.memory_space<semaphore_mem>>)
    %dma_wait3A_81 = arith.constant 0 : i32
    %dma_wait3A_82 = tpu.memref_slice %arg4[%add3A_58, %dma_wait3A_81] : memref<2048x768xf32, #tpu.memory_space<hbm>> -> memref<32x768xf32, #tpu.memory_space<hbm>>
    %dma_wait3A_83 = arith.constant 0 : i32
    %dma_wait3A_84 = tpu.memref_slice %arg4[%add3A_58, %dma_wait3A_83] : memref<2048x768xf32, #tpu.memory_space<hbm>> -> memref<32x768xf32, #tpu.memory_space<hbm>>
    tpu.wait_dma2 semaphore(%arg12 : memref<!tpu.dma_semaphore, #tpu.memory_space<semaphore_mem>>) src(%dma_wait3A_84 : memref<32x768xf32, #tpu.memory_space<hbm>>) dst(%arg7 : memref<32x768xf32, #tpu.memory_space<vmem>>)
    %dma_start3A_85 = arith.constant 0 : i32
    %dma_start3A_86 = tpu.memref_slice %arg6[%dma_start3A_85] : memref<256xi32, #tpu.memory_space<vmem>> -> memref<32xi32, #tpu.memory_space<vmem>>
    %dma_start3A_87 = arith.constant 0 : i32
    %dma_start3A_88 = arith.constant 0 : i32
    %dma_start3A_89 = tpu.memref_slice %arg3[%dma_start3A_87, %dma_start3A_88] : memref<100000x768xf32, #tpu.memory_space<hbm>> -> memref<100000x768xf32, #tpu.memory_space<hbm>>
    tpu.enqueue_indirect_dma source(%dma_start3A_89 : memref<100000x768xf32, #tpu.memory_space<hbm>>) target(%arg7 : memref<32x768xf32, #tpu.memory_space<vmem>>) offsets(%dma_start3A_86 : memref<32xi32, #tpu.memory_space<vmem>>) semaphore(%arg16 : memref<!tpu.dma_semaphore, #tpu.memory_space<semaphore_mem>>) {add = true}
    %dma_wait3A_90 = arith.constant 0 : i32
    %dma_wait3A_91 = tpu.memref_slice %arg4[%add3A_64, %dma_wait3A_90] : memref<2048x768xf32, #tpu.memory_space<hbm>> -> memref<32x768xf32, #tpu.memory_space<hbm>>
    %dma_wait3A_92 = arith.constant 0 : i32
    %dma_wait3A_93 = tpu.memref_slice %arg4[%add3A_64, %dma_wait3A_92] : memref<2048x768xf32, #tpu.memory_space<hbm>> -> memref<32x768xf32, #tpu.memory_space<hbm>>
    tpu.wait_dma2 semaphore(%arg13 : memref<!tpu.dma_semaphore, #tpu.memory_space<semaphore_mem>>) src(%dma_wait3A_93 : memref<32x768xf32, #tpu.memory_space<hbm>>) dst(%arg8 : memref<32x768xf32, #tpu.memory_space<vmem>>)
    %dma_start3A_94 = arith.constant 32 : i32
    %dma_start3A_95 = tpu.memref_slice %arg6[%dma_start3A_94] : memref<256xi32, #tpu.memory_space<vmem>> -> memref<32xi32, #tpu.memory_space<vmem>>
    %dma_start3A_96 = arith.constant 0 : i32
    %dma_start3A_97 = arith.constant 0 : i32
    %dma_start3A_98 = tpu.memref_slice %arg3[%dma_start3A_96, %dma_start3A_97] : memref<100000x768xf32, #tpu.memory_space<hbm>> -> memref<100000x768xf32, #tpu.memory_space<hbm>>
    tpu.enqueue_indirect_dma source(%dma_start3A_98 : memref<100000x768xf32, #tpu.memory_space<hbm>>) target(%arg8 : memref<32x768xf32, #tpu.memory_space<vmem>>) offsets(%dma_start3A_95 : memref<32xi32, #tpu.memory_space<vmem>>) semaphore(%arg17 : memref<!tpu.dma_semaphore, #tpu.memory_space<semaphore_mem>>) {add = true}
    "tpu.trace_start"() <{level = 10 : i32, message = "g_wait0"}> : () -> ()
    %dma_wait3A_99 = arith.constant 0 : i32
    %dma_wait3A_100 = tpu.memref_slice %arg6[%dma_wait3A_99] : memref<256xi32, #tpu.memory_space<vmem>> -> memref<32xi32, #tpu.memory_space<vmem>>
    %dma_wait3A_101 = arith.constant 0 : i32
    %dma_wait3A_102 = arith.constant 0 : i32
    %dma_wait3A_103 = tpu.memref_slice %arg3[%dma_wait3A_101, %dma_wait3A_102] : memref<100000x768xf32, #tpu.memory_space<hbm>> -> memref<100000x768xf32, #tpu.memory_space<hbm>>
    tpu.wait_indirect_dma semaphore(%arg16 : memref<!tpu.dma_semaphore, #tpu.memory_space<semaphore_mem>>) src(%dma_wait3A_103 : memref<100000x768xf32, #tpu.memory_space<hbm>>) dst(%arg7 : memref<32x768xf32, #tpu.memory_space<vmem>>)
    "tpu.trace_stop"() : () -> ()
    %add3A_104 = arith.constant 0 : i32
    %add3A_105 = arith.addi %add3A_104, %mul3A_2 : i32
    %add3A_106 = arith.constant 0 : i32
    %add3A_107 = arith.addi %add3A_105, %add3A_106 : i32
    %dma_start3A_108 = arith.constant 0 : i32
    %dma_start3A_109 = tpu.memref_slice %arg5[%add3A_107, %dma_start3A_108] : memref<8192x768xf32, #tpu.memory_space<hbm>> -> memref<32x768xf32, #tpu.memory_space<hbm>>
    %dma_start3A_110 = arith.constant 0 : i32
    %dma_start3A_111 = tpu.memref_slice %arg5[%add3A_107, %dma_start3A_110] : memref<8192x768xf32, #tpu.memory_space<hbm>> -> memref<32x768xf32, #tpu.memory_space<hbm>>
    tpu.enqueue_dma source(%arg7 : memref<32x768xf32, #tpu.memory_space<vmem>>) target(%dma_start3A_111 : memref<32x768xf32, #tpu.memory_space<hbm>>) target_semaphore(%arg20 : memref<!tpu.dma_semaphore, #tpu.memory_space<semaphore_mem>>)
    "tpu.trace_start"() <{level = 10 : i32, message = "issue0"}> : () -> ()
    %dma_wait3A_112 = arith.constant 0 : i32
    %dma_wait3A_113 = tpu.memref_slice %arg4[%add3A_70, %dma_wait3A_112] : memref<2048x768xf32, #tpu.memory_space<hbm>> -> memref<32x768xf32, #tpu.memory_space<hbm>>
    %dma_wait3A_114 = arith.constant 0 : i32
    %dma_wait3A_115 = tpu.memref_slice %arg4[%add3A_70, %dma_wait3A_114] : memref<2048x768xf32, #tpu.memory_space<hbm>> -> memref<32x768xf32, #tpu.memory_space<hbm>>
    tpu.wait_dma2 semaphore(%arg14 : memref<!tpu.dma_semaphore, #tpu.memory_space<semaphore_mem>>) src(%dma_wait3A_115 : memref<32x768xf32, #tpu.memory_space<hbm>>) dst(%arg9 : memref<32x768xf32, #tpu.memory_space<vmem>>)
    %dma_start3A_116 = arith.constant 64 : i32
    %dma_start3A_117 = tpu.memref_slice %arg6[%dma_start3A_116] : memref<256xi32, #tpu.memory_space<vmem>> -> memref<32xi32, #tpu.memory_space<vmem>>
    %dma_start3A_118 = arith.constant 0 : i32
    %dma_start3A_119 = arith.constant 0 : i32
    %dma_start3A_120 = tpu.memref_slice %arg3[%dma_start3A_118, %dma_start3A_119] : memref<100000x768xf32, #tpu.memory_space<hbm>> -> memref<100000x768xf32, #tpu.memory_space<hbm>>
    tpu.enqueue_indirect_dma source(%dma_start3A_120 : memref<100000x768xf32, #tpu.memory_space<hbm>>) target(%arg9 : memref<32x768xf32, #tpu.memory_space<vmem>>) offsets(%dma_start3A_117 : memref<32xi32, #tpu.memory_space<vmem>>) semaphore(%arg18 : memref<!tpu.dma_semaphore, #tpu.memory_space<semaphore_mem>>) {add = true}
    %dma_wait3A_121 = arith.constant 0 : i32
    %dma_wait3A_122 = tpu.memref_slice %arg5[%add3A_107, %dma_wait3A_121] : memref<8192x768xf32, #tpu.memory_space<hbm>> -> memref<32x768xf32, #tpu.memory_space<hbm>>
    %dma_wait3A_123 = arith.constant 0 : i32
    %dma_wait3A_124 = tpu.memref_slice %arg5[%add3A_107, %dma_wait3A_123] : memref<8192x768xf32, #tpu.memory_space<hbm>> -> memref<32x768xf32, #tpu.memory_space<hbm>>
    tpu.wait_dma2 semaphore(%arg20 : memref<!tpu.dma_semaphore, #tpu.memory_space<semaphore_mem>>) src(%arg7 : memref<32x768xf32, #tpu.memory_space<vmem>>) dst(%dma_wait3A_124 : memref<32x768xf32, #tpu.memory_space<hbm>>)
    %add3A_125 = arith.constant 0 : i32
    %add3A_126 = arith.addi %mul3A_2, %add3A_125 : i32
    %dma_start3A_127 = arith.constant 0 : i32
    %dma_start3A_128 = tpu.memref_slice %arg4[%add3A_126, %dma_start3A_127] : memref<2048x768xf32, #tpu.memory_space<hbm>> -> memref<32x768xf32, #tpu.memory_space<hbm>>
    %dma_start3A_129 = arith.constant 0 : i32
    %dma_start3A_130 = tpu.memref_slice %arg4[%add3A_126, %dma_start3A_129] : memref<2048x768xf32, #tpu.memory_space<hbm>> -> memref<32x768xf32, #tpu.memory_space<hbm>>
    tpu.enqueue_dma source(%dma_start3A_130 : memref<32x768xf32, #tpu.memory_space<hbm>>) target(%arg7 : memref<32x768xf32, #tpu.memory_space<vmem>>) target_semaphore(%arg12 : memref<!tpu.dma_semaphore, #tpu.memory_space<semaphore_mem>>)
    "tpu.trace_stop"() : () -> ()
    "tpu.trace_start"() <{level = 10 : i32, message = "g_wait1"}> : () -> ()
    %dma_wait3A_131 = arith.constant 32 : i32
    %dma_wait3A_132 = tpu.memref_slice %arg6[%dma_wait3A_131] : memref<256xi32, #tpu.memory_space<vmem>> -> memref<32xi32, #tpu.memory_space<vmem>>
    %dma_wait3A_133 = arith.constant 0 : i32
    %dma_wait3A_134 = arith.constant 0 : i32
    %dma_wait3A_135 = tpu.memref_slice %arg3[%dma_wait3A_133, %dma_wait3A_134] : memref<100000x768xf32, #tpu.memory_space<hbm>> -> memref<100000x768xf32, #tpu.memory_space<hbm>>
    tpu.wait_indirect_dma semaphore(%arg17 : memref<!tpu.dma_semaphore, #tpu.memory_space<semaphore_mem>>) src(%dma_wait3A_135 : memref<100000x768xf32, #tpu.memory_space<hbm>>) dst(%arg8 : memref<32x768xf32, #tpu.memory_space<vmem>>)
    "tpu.trace_stop"() : () -> ()
    %add3A_136 = arith.constant 0 : i32
    %add3A_137 = arith.addi %add3A_136, %mul3A_2 : i32
    %add3A_138 = arith.constant 32 : i32
    %add3A_139 = arith.addi %add3A_137, %add3A_138 : i32
    %dma_start3A_140 = arith.constant 0 : i32
    %dma_start3A_141 = tpu.memref_slice %arg5[%add3A_139, %dma_start3A_140] : memref<8192x768xf32, #tpu.memory_space<hbm>> -> memref<32x768xf32, #tpu.memory_space<hbm>>
    %dma_start3A_142 = arith.constant 0 : i32
    %dma_start3A_143 = tpu.memref_slice %arg5[%add3A_139, %dma_start3A_142] : memref<8192x768xf32, #tpu.memory_space<hbm>> -> memref<32x768xf32, #tpu.memory_space<hbm>>
    tpu.enqueue_dma source(%arg8 : memref<32x768xf32, #tpu.memory_space<vmem>>) target(%dma_start3A_143 : memref<32x768xf32, #tpu.memory_space<hbm>>) target_semaphore(%arg21 : memref<!tpu.dma_semaphore, #tpu.memory_space<semaphore_mem>>)
    "tpu.trace_start"() <{level = 10 : i32, message = "issue1"}> : () -> ()
    %dma_wait3A_144 = arith.constant 0 : i32
    %dma_wait3A_145 = tpu.memref_slice %arg4[%add3A_76, %dma_wait3A_144] : memref<2048x768xf32, #tpu.memory_space<hbm>> -> memref<32x768xf32, #tpu.memory_space<hbm>>
    %dma_wait3A_146 = arith.constant 0 : i32
    %dma_wait3A_147 = tpu.memref_slice %arg4[%add3A_76, %dma_wait3A_146] : memref<2048x768xf32, #tpu.memory_space<hbm>> -> memref<32x768xf32, #tpu.memory_space<hbm>>
    tpu.wait_dma2 semaphore(%arg15 : memref<!tpu.dma_semaphore, #tpu.memory_space<semaphore_mem>>) src(%dma_wait3A_147 : memref<32x768xf32, #tpu.memory_space<hbm>>) dst(%arg10 : memref<32x768xf32, #tpu.memory_space<vmem>>)
    %dma_start3A_148 = arith.constant 96 : i32
    %dma_start3A_149 = tpu.memref_slice %arg6[%dma_start3A_148] : memref<256xi32, #tpu.memory_space<vmem>> -> memref<32xi32, #tpu.memory_space<vmem>>
    %dma_start3A_150 = arith.constant 0 : i32
    %dma_start3A_151 = arith.constant 0 : i32
    %dma_start3A_152 = tpu.memref_slice %arg3[%dma_start3A_150, %dma_start3A_151] : memref<100000x768xf32, #tpu.memory_space<hbm>> -> memref<100000x768xf32, #tpu.memory_space<hbm>>
    tpu.enqueue_indirect_dma source(%dma_start3A_152 : memref<100000x768xf32, #tpu.memory_space<hbm>>) target(%arg10 : memref<32x768xf32, #tpu.memory_space<vmem>>) offsets(%dma_start3A_149 : memref<32xi32, #tpu.memory_space<vmem>>) semaphore(%arg19 : memref<!tpu.dma_semaphore, #tpu.memory_space<semaphore_mem>>) {add = true}
    %dma_wait3A_153 = arith.constant 0 : i32
    %dma_wait3A_154 = tpu.memref_slice %arg5[%add3A_139, %dma_wait3A_153] : memref<8192x768xf32, #tpu.memory_space<hbm>> -> memref<32x768xf32, #tpu.memory_space<hbm>>
    %dma_wait3A_155 = arith.constant 0 : i32
    %dma_wait3A_156 = tpu.memref_slice %arg5[%add3A_139, %dma_wait3A_155] : memref<8192x768xf32, #tpu.memory_space<hbm>> -> memref<32x768xf32, #tpu.memory_space<hbm>>
    tpu.wait_dma2 semaphore(%arg21 : memref<!tpu.dma_semaphore, #tpu.memory_space<semaphore_mem>>) src(%arg8 : memref<32x768xf32, #tpu.memory_space<vmem>>) dst(%dma_wait3A_156 : memref<32x768xf32, #tpu.memory_space<hbm>>)
    %add3A_157 = arith.constant 32 : i32
    %add3A_158 = arith.addi %mul3A_2, %add3A_157 : i32
    %dma_start3A_159 = arith.constant 0 : i32
    %dma_start3A_160 = tpu.memref_slice %arg4[%add3A_158, %dma_start3A_159] : memref<2048x768xf32, #tpu.memory_space<hbm>> -> memref<32x768xf32, #tpu.memory_space<hbm>>
    %dma_start3A_161 = arith.constant 0 : i32
    %dma_start3A_162 = tpu.memref_slice %arg4[%add3A_158, %dma_start3A_161] : memref<2048x768xf32, #tpu.memory_space<hbm>> -> memref<32x768xf32, #tpu.memory_space<hbm>>
    tpu.enqueue_dma source(%dma_start3A_162 : memref<32x768xf32, #tpu.memory_space<hbm>>) target(%arg8 : memref<32x768xf32, #tpu.memory_space<vmem>>) target_semaphore(%arg13 : memref<!tpu.dma_semaphore, #tpu.memory_space<semaphore_mem>>)
    "tpu.trace_stop"() : () -> ()
    "tpu.trace_start"() <{level = 10 : i32, message = "g_wait2"}> : () -> ()
    %dma_wait3A_163 = arith.constant 64 : i32
    %dma_wait3A_164 = tpu.memref_slice %arg6[%dma_wait3A_163] : memref<256xi32, #tpu.memory_space<vmem>> -> memref<32xi32, #tpu.memory_space<vmem>>
    %dma_wait3A_165 = arith.constant 0 : i32
    %dma_wait3A_166 = arith.constant 0 : i32
    %dma_wait3A_167 = tpu.memref_slice %arg3[%dma_wait3A_165, %dma_wait3A_166] : memref<100000x768xf32, #tpu.memory_space<hbm>> -> memref<100000x768xf32, #tpu.memory_space<hbm>>
    tpu.wait_indirect_dma semaphore(%arg18 : memref<!tpu.dma_semaphore, #tpu.memory_space<semaphore_mem>>) src(%dma_wait3A_167 : memref<100000x768xf32, #tpu.memory_space<hbm>>) dst(%arg9 : memref<32x768xf32, #tpu.memory_space<vmem>>)
    "tpu.trace_stop"() : () -> ()
    %add3A_168 = arith.constant 2048 : i32
    %add3A_169 = arith.addi %add3A_168, %mul3A_2 : i32
    %add3A_170 = arith.constant 0 : i32
    %add3A_171 = arith.addi %add3A_169, %add3A_170 : i32
    %dma_start3A_172 = arith.constant 0 : i32
    %dma_start3A_173 = tpu.memref_slice %arg5[%add3A_171, %dma_start3A_172] : memref<8192x768xf32, #tpu.memory_space<hbm>> -> memref<32x768xf32, #tpu.memory_space<hbm>>
    %dma_start3A_174 = arith.constant 0 : i32
    %dma_start3A_175 = tpu.memref_slice %arg5[%add3A_171, %dma_start3A_174] : memref<8192x768xf32, #tpu.memory_space<hbm>> -> memref<32x768xf32, #tpu.memory_space<hbm>>
    tpu.enqueue_dma source(%arg9 : memref<32x768xf32, #tpu.memory_space<vmem>>) target(%dma_start3A_175 : memref<32x768xf32, #tpu.memory_space<hbm>>) target_semaphore(%arg22 : memref<!tpu.dma_semaphore, #tpu.memory_space<semaphore_mem>>)
    "tpu.trace_start"() <{level = 10 : i32, message = "issue2"}> : () -> ()
    %dma_wait3A_176 = arith.constant 0 : i32
    %dma_wait3A_177 = tpu.memref_slice %arg4[%add3A_126, %dma_wait3A_176] : memref<2048x768xf32, #tpu.memory_space<hbm>> -> memref<32x768xf32, #tpu.memory_space<hbm>>
    %dma_wait3A_178 = arith.constant 0 : i32
    %dma_wait3A_179 = tpu.memref_slice %arg4[%add3A_126, %dma_wait3A_178] : memref<2048x768xf32, #tpu.memory_space<hbm>> -> memref<32x768xf32, #tpu.memory_space<hbm>>
    tpu.wait_dma2 semaphore(%arg12 : memref<!tpu.dma_semaphore, #tpu.memory_space<semaphore_mem>>) src(%dma_wait3A_179 : memref<32x768xf32, #tpu.memory_space<hbm>>) dst(%arg7 : memref<32x768xf32, #tpu.memory_space<vmem>>)
    %dma_start3A_180 = arith.constant 128 : i32
    %dma_start3A_181 = tpu.memref_slice %arg6[%dma_start3A_180] : memref<256xi32, #tpu.memory_space<vmem>> -> memref<32xi32, #tpu.memory_space<vmem>>
    %dma_start3A_182 = arith.constant 0 : i32
    %dma_start3A_183 = arith.constant 0 : i32
    %dma_start3A_184 = tpu.memref_slice %arg3[%dma_start3A_182, %dma_start3A_183] : memref<100000x768xf32, #tpu.memory_space<hbm>> -> memref<100000x768xf32, #tpu.memory_space<hbm>>
    tpu.enqueue_indirect_dma source(%dma_start3A_184 : memref<100000x768xf32, #tpu.memory_space<hbm>>) target(%arg7 : memref<32x768xf32, #tpu.memory_space<vmem>>) offsets(%dma_start3A_181 : memref<32xi32, #tpu.memory_space<vmem>>) semaphore(%arg16 : memref<!tpu.dma_semaphore, #tpu.memory_space<semaphore_mem>>) {add = true}
    %dma_wait3A_185 = arith.constant 0 : i32
    %dma_wait3A_186 = tpu.memref_slice %arg5[%add3A_171, %dma_wait3A_185] : memref<8192x768xf32, #tpu.memory_space<hbm>> -> memref<32x768xf32, #tpu.memory_space<hbm>>
    %dma_wait3A_187 = arith.constant 0 : i32
    %dma_wait3A_188 = tpu.memref_slice %arg5[%add3A_171, %dma_wait3A_187] : memref<8192x768xf32, #tpu.memory_space<hbm>> -> memref<32x768xf32, #tpu.memory_space<hbm>>
    tpu.wait_dma2 semaphore(%arg22 : memref<!tpu.dma_semaphore, #tpu.memory_space<semaphore_mem>>) src(%arg9 : memref<32x768xf32, #tpu.memory_space<vmem>>) dst(%dma_wait3A_188 : memref<32x768xf32, #tpu.memory_space<hbm>>)
    %add3A_189 = arith.constant 0 : i32
    %add3A_190 = arith.addi %mul3A_2, %add3A_189 : i32
    %dma_start3A_191 = arith.constant 0 : i32
    %dma_start3A_192 = tpu.memref_slice %arg4[%add3A_190, %dma_start3A_191] : memref<2048x768xf32, #tpu.memory_space<hbm>> -> memref<32x768xf32, #tpu.memory_space<hbm>>
    %dma_start3A_193 = arith.constant 0 : i32
    %dma_start3A_194 = tpu.memref_slice %arg4[%add3A_190, %dma_start3A_193] : memref<2048x768xf32, #tpu.memory_space<hbm>> -> memref<32x768xf32, #tpu.memory_space<hbm>>
    tpu.enqueue_dma source(%dma_start3A_194 : memref<32x768xf32, #tpu.memory_space<hbm>>) target(%arg9 : memref<32x768xf32, #tpu.memory_space<vmem>>) target_semaphore(%arg14 : memref<!tpu.dma_semaphore, #tpu.memory_space<semaphore_mem>>)
    "tpu.trace_stop"() : () -> ()
    "tpu.trace_start"() <{level = 10 : i32, message = "g_wait3"}> : () -> ()
    %dma_wait3A_195 = arith.constant 96 : i32
    %dma_wait3A_196 = tpu.memref_slice %arg6[%dma_wait3A_195] : memref<256xi32, #tpu.memory_space<vmem>> -> memref<32xi32, #tpu.memory_space<vmem>>
    %dma_wait3A_197 = arith.constant 0 : i32
    %dma_wait3A_198 = arith.constant 0 : i32
    %dma_wait3A_199 = tpu.memref_slice %arg3[%dma_wait3A_197, %dma_wait3A_198] : memref<100000x768xf32, #tpu.memory_space<hbm>> -> memref<100000x768xf32, #tpu.memory_space<hbm>>
    tpu.wait_indirect_dma semaphore(%arg19 : memref<!tpu.dma_semaphore, #tpu.memory_space<semaphore_mem>>) src(%dma_wait3A_199 : memref<100000x768xf32, #tpu.memory_space<hbm>>) dst(%arg10 : memref<32x768xf32, #tpu.memory_space<vmem>>)
    "tpu.trace_stop"() : () -> ()
    %add3A_200 = arith.constant 2048 : i32
    %add3A_201 = arith.addi %add3A_200, %mul3A_2 : i32
    %add3A_202 = arith.constant 32 : i32
    %add3A_203 = arith.addi %add3A_201, %add3A_202 : i32
    %dma_start3A_204 = arith.constant 0 : i32
    %dma_start3A_205 = tpu.memref_slice %arg5[%add3A_203, %dma_start3A_204] : memref<8192x768xf32, #tpu.memory_space<hbm>> -> memref<32x768xf32, #tpu.memory_space<hbm>>
    %dma_start3A_206 = arith.constant 0 : i32
    %dma_start3A_207 = tpu.memref_slice %arg5[%add3A_203, %dma_start3A_206] : memref<8192x768xf32, #tpu.memory_space<hbm>> -> memref<32x768xf32, #tpu.memory_space<hbm>>
    tpu.enqueue_dma source(%arg10 : memref<32x768xf32, #tpu.memory_space<vmem>>) target(%dma_start3A_207 : memref<32x768xf32, #tpu.memory_space<hbm>>) target_semaphore(%arg23 : memref<!tpu.dma_semaphore, #tpu.memory_space<semaphore_mem>>)
    "tpu.trace_start"() <{level = 10 : i32, message = "issue3"}> : () -> ()
    %dma_wait3A_208 = arith.constant 0 : i32
    %dma_wait3A_209 = tpu.memref_slice %arg4[%add3A_158, %dma_wait3A_208] : memref<2048x768xf32, #tpu.memory_space<hbm>> -> memref<32x768xf32, #tpu.memory_space<hbm>>
    %dma_wait3A_210 = arith.constant 0 : i32
    %dma_wait3A_211 = tpu.memref_slice %arg4[%add3A_158, %dma_wait3A_210] : memref<2048x768xf32, #tpu.memory_space<hbm>> -> memref<32x768xf32, #tpu.memory_space<hbm>>
    tpu.wait_dma2 semaphore(%arg13 : memref<!tpu.dma_semaphore, #tpu.memory_space<semaphore_mem>>) src(%dma_wait3A_211 : memref<32x768xf32, #tpu.memory_space<hbm>>) dst(%arg8 : memref<32x768xf32, #tpu.memory_space<vmem>>)
    %dma_start3A_212 = arith.constant 160 : i32
    %dma_start3A_213 = tpu.memref_slice %arg6[%dma_start3A_212] : memref<256xi32, #tpu.memory_space<vmem>> -> memref<32xi32, #tpu.memory_space<vmem>>
    %dma_start3A_214 = arith.constant 0 : i32
    %dma_start3A_215 = arith.constant 0 : i32
    %dma_start3A_216 = tpu.memref_slice %arg3[%dma_start3A_214, %dma_start3A_215] : memref<100000x768xf32, #tpu.memory_space<hbm>> -> memref<100000x768xf32, #tpu.memory_space<hbm>>
    tpu.enqueue_indirect_dma source(%dma_start3A_216 : memref<100000x768xf32, #tpu.memory_space<hbm>>) target(%arg8 : memref<32x768xf32, #tpu.memory_space<vmem>>) offsets(%dma_start3A_213 : memref<32xi32, #tpu.memory_space<vmem>>) semaphore(%arg17 : memref<!tpu.dma_semaphore, #tpu.memory_space<semaphore_mem>>) {add = true}
    %dma_wait3A_217 = arith.constant 0 : i32
    %dma_wait3A_218 = tpu.memref_slice %arg5[%add3A_203, %dma_wait3A_217] : memref<8192x768xf32, #tpu.memory_space<hbm>> -> memref<32x768xf32, #tpu.memory_space<hbm>>
    %dma_wait3A_219 = arith.constant 0 : i32
    %dma_wait3A_220 = tpu.memref_slice %arg5[%add3A_203, %dma_wait3A_219] : memref<8192x768xf32, #tpu.memory_space<hbm>> -> memref<32x768xf32, #tpu.memory_space<hbm>>
    tpu.wait_dma2 semaphore(%arg23 : memref<!tpu.dma_semaphore, #tpu.memory_space<semaphore_mem>>) src(%arg10 : memref<32x768xf32, #tpu.memory_space<vmem>>) dst(%dma_wait3A_220 : memref<32x768xf32, #tpu.memory_space<hbm>>)
    %add3A_221 = arith.constant 32 : i32
    %add3A_222 = arith.addi %mul3A_2, %add3A_221 : i32
    %dma_start3A_223 = arith.constant 0 : i32
    %dma_start3A_224 = tpu.memref_slice %arg4[%add3A_222, %dma_start3A_223] : memref<2048x768xf32, #tpu.memory_space<hbm>> -> memref<32x768xf32, #tpu.memory_space<hbm>>
    %dma_start3A_225 = arith.constant 0 : i32
    %dma_start3A_226 = tpu.memref_slice %arg4[%add3A_222, %dma_start3A_225] : memref<2048x768xf32, #tpu.memory_space<hbm>> -> memref<32x768xf32, #tpu.memory_space<hbm>>
    tpu.enqueue_dma source(%dma_start3A_226 : memref<32x768xf32, #tpu.memory_space<hbm>>) target(%arg10 : memref<32x768xf32, #tpu.memory_space<vmem>>) target_semaphore(%arg15 : memref<!tpu.dma_semaphore, #tpu.memory_space<semaphore_mem>>)
    "tpu.trace_stop"() : () -> ()
    "tpu.trace_start"() <{level = 10 : i32, message = "g_wait4"}> : () -> ()
    %dma_wait3A_227 = arith.constant 128 : i32
    %dma_wait3A_228 = tpu.memref_slice %arg6[%dma_wait3A_227] : memref<256xi32, #tpu.memory_space<vmem>> -> memref<32xi32, #tpu.memory_space<vmem>>
    %dma_wait3A_229 = arith.constant 0 : i32
    %dma_wait3A_230 = arith.constant 0 : i32
    %dma_wait3A_231 = tpu.memref_slice %arg3[%dma_wait3A_229, %dma_wait3A_230] : memref<100000x768xf32, #tpu.memory_space<hbm>> -> memref<100000x768xf32, #tpu.memory_space<hbm>>
    tpu.wait_indirect_dma semaphore(%arg16 : memref<!tpu.dma_semaphore, #tpu.memory_space<semaphore_mem>>) src(%dma_wait3A_231 : memref<100000x768xf32, #tpu.memory_space<hbm>>) dst(%arg7 : memref<32x768xf32, #tpu.memory_space<vmem>>)
    "tpu.trace_stop"() : () -> ()
    %add3A_232 = arith.constant 4096 : i32
    %add3A_233 = arith.addi %add3A_232, %mul3A_2 : i32
    %add3A_234 = arith.constant 0 : i32
    %add3A_235 = arith.addi %add3A_233, %add3A_234 : i32
    %dma_start3A_236 = arith.constant 0 : i32
    %dma_start3A_237 = tpu.memref_slice %arg5[%add3A_235, %dma_start3A_236] : memref<8192x768xf32, #tpu.memory_space<hbm>> -> memref<32x768xf32, #tpu.memory_space<hbm>>
    %dma_start3A_238 = arith.constant 0 : i32
    %dma_start3A_239 = tpu.memref_slice %arg5[%add3A_235, %dma_start3A_238] : memref<8192x768xf32, #tpu.memory_space<hbm>> -> memref<32x768xf32, #tpu.memory_space<hbm>>
    tpu.enqueue_dma source(%arg7 : memref<32x768xf32, #tpu.memory_space<vmem>>) target(%dma_start3A_239 : memref<32x768xf32, #tpu.memory_space<hbm>>) target_semaphore(%arg20 : memref<!tpu.dma_semaphore, #tpu.memory_space<semaphore_mem>>)
    "tpu.trace_start"() <{level = 10 : i32, message = "issue4"}> : () -> ()
    %dma_wait3A_240 = arith.constant 0 : i32
    %dma_wait3A_241 = tpu.memref_slice %arg4[%add3A_190, %dma_wait3A_240] : memref<2048x768xf32, #tpu.memory_space<hbm>> -> memref<32x768xf32, #tpu.memory_space<hbm>>
    %dma_wait3A_242 = arith.constant 0 : i32
    %dma_wait3A_243 = tpu.memref_slice %arg4[%add3A_190, %dma_wait3A_242] : memref<2048x768xf32, #tpu.memory_space<hbm>> -> memref<32x768xf32, #tpu.memory_space<hbm>>
    tpu.wait_dma2 semaphore(%arg14 : memref<!tpu.dma_semaphore, #tpu.memory_space<semaphore_mem>>) src(%dma_wait3A_243 : memref<32x768xf32, #tpu.memory_space<hbm>>) dst(%arg9 : memref<32x768xf32, #tpu.memory_space<vmem>>)
    %dma_start3A_244 = arith.constant 192 : i32
    %dma_start3A_245 = tpu.memref_slice %arg6[%dma_start3A_244] : memref<256xi32, #tpu.memory_space<vmem>> -> memref<32xi32, #tpu.memory_space<vmem>>
    %dma_start3A_246 = arith.constant 0 : i32
    %dma_start3A_247 = arith.constant 0 : i32
    %dma_start3A_248 = tpu.memref_slice %arg3[%dma_start3A_246, %dma_start3A_247] : memref<100000x768xf32, #tpu.memory_space<hbm>> -> memref<100000x768xf32, #tpu.memory_space<hbm>>
    tpu.enqueue_indirect_dma source(%dma_start3A_248 : memref<100000x768xf32, #tpu.memory_space<hbm>>) target(%arg9 : memref<32x768xf32, #tpu.memory_space<vmem>>) offsets(%dma_start3A_245 : memref<32xi32, #tpu.memory_space<vmem>>) semaphore(%arg18 : memref<!tpu.dma_semaphore, #tpu.memory_space<semaphore_mem>>) {add = true}
    "tpu.trace_stop"() : () -> ()
    "tpu.trace_start"() <{level = 10 : i32, message = "g_wait5"}> : () -> ()
    %dma_wait3A_249 = arith.constant 160 : i32
    %dma_wait3A_250 = tpu.memref_slice %arg6[%dma_wait3A_249] : memref<256xi32, #tpu.memory_space<vmem>> -> memref<32xi32, #tpu.memory_space<vmem>>
    %dma_wait3A_251 = arith.constant 0 : i32
    %dma_wait3A_252 = arith.constant 0 : i32
    %dma_wait3A_253 = tpu.memref_slice %arg3[%dma_wait3A_251, %dma_wait3A_252] : memref<100000x768xf32, #tpu.memory_space<hbm>> -> memref<100000x768xf32, #tpu.memory_space<hbm>>
    tpu.wait_indirect_dma semaphore(%arg17 : memref<!tpu.dma_semaphore, #tpu.memory_space<semaphore_mem>>) src(%dma_wait3A_253 : memref<100000x768xf32, #tpu.memory_space<hbm>>) dst(%arg8 : memref<32x768xf32, #tpu.memory_space<vmem>>)
    "tpu.trace_stop"() : () -> ()
    %add3A_254 = arith.constant 4096 : i32
    %add3A_255 = arith.addi %add3A_254, %mul3A_2 : i32
    %add3A_256 = arith.constant 32 : i32
    %add3A_257 = arith.addi %add3A_255, %add3A_256 : i32
    %dma_start3A_258 = arith.constant 0 : i32
    %dma_start3A_259 = tpu.memref_slice %arg5[%add3A_257, %dma_start3A_258] : memref<8192x768xf32, #tpu.memory_space<hbm>> -> memref<32x768xf32, #tpu.memory_space<hbm>>
    %dma_start3A_260 = arith.constant 0 : i32
    %dma_start3A_261 = tpu.memref_slice %arg5[%add3A_257, %dma_start3A_260] : memref<8192x768xf32, #tpu.memory_space<hbm>> -> memref<32x768xf32, #tpu.memory_space<hbm>>
    tpu.enqueue_dma source(%arg8 : memref<32x768xf32, #tpu.memory_space<vmem>>) target(%dma_start3A_261 : memref<32x768xf32, #tpu.memory_space<hbm>>) target_semaphore(%arg21 : memref<!tpu.dma_semaphore, #tpu.memory_space<semaphore_mem>>)
    "tpu.trace_start"() <{level = 10 : i32, message = "issue5"}> : () -> ()
    %dma_wait3A_262 = arith.constant 0 : i32
    %dma_wait3A_263 = tpu.memref_slice %arg4[%add3A_222, %dma_wait3A_262] : memref<2048x768xf32, #tpu.memory_space<hbm>> -> memref<32x768xf32, #tpu.memory_space<hbm>>
    %dma_wait3A_264 = arith.constant 0 : i32
    %dma_wait3A_265 = tpu.memref_slice %arg4[%add3A_222, %dma_wait3A_264] : memref<2048x768xf32, #tpu.memory_space<hbm>> -> memref<32x768xf32, #tpu.memory_space<hbm>>
    tpu.wait_dma2 semaphore(%arg15 : memref<!tpu.dma_semaphore, #tpu.memory_space<semaphore_mem>>) src(%dma_wait3A_265 : memref<32x768xf32, #tpu.memory_space<hbm>>) dst(%arg10 : memref<32x768xf32, #tpu.memory_space<vmem>>)
    %dma_start3A_266 = arith.constant 224 : i32
    %dma_start3A_267 = tpu.memref_slice %arg6[%dma_start3A_266] : memref<256xi32, #tpu.memory_space<vmem>> -> memref<32xi32, #tpu.memory_space<vmem>>
    %dma_start3A_268 = arith.constant 0 : i32
    %dma_start3A_269 = arith.constant 0 : i32
    %dma_start3A_270 = tpu.memref_slice %arg3[%dma_start3A_268, %dma_start3A_269] : memref<100000x768xf32, #tpu.memory_space<hbm>> -> memref<100000x768xf32, #tpu.memory_space<hbm>>
    tpu.enqueue_indirect_dma source(%dma_start3A_270 : memref<100000x768xf32, #tpu.memory_space<hbm>>) target(%arg10 : memref<32x768xf32, #tpu.memory_space<vmem>>) offsets(%dma_start3A_267 : memref<32xi32, #tpu.memory_space<vmem>>) semaphore(%arg19 : memref<!tpu.dma_semaphore, #tpu.memory_space<semaphore_mem>>) {add = true}
    "tpu.trace_stop"() : () -> ()
    "tpu.trace_start"() <{level = 10 : i32, message = "g_wait6"}> : () -> ()
    %dma_wait3A_271 = arith.constant 192 : i32
    %dma_wait3A_272 = tpu.memref_slice %arg6[%dma_wait3A_271] : memref<256xi32, #tpu.memory_space<vmem>> -> memref<32xi32, #tpu.memory_space<vmem>>
    %dma_wait3A_273 = arith.constant 0 : i32
    %dma_wait3A_274 = arith.constant 0 : i32
    %dma_wait3A_275 = tpu.memref_slice %arg3[%dma_wait3A_273, %dma_wait3A_274] : memref<100000x768xf32, #tpu.memory_space<hbm>> -> memref<100000x768xf32, #tpu.memory_space<hbm>>
    tpu.wait_indirect_dma semaphore(%arg18 : memref<!tpu.dma_semaphore, #tpu.memory_space<semaphore_mem>>) src(%dma_wait3A_275 : memref<100000x768xf32, #tpu.memory_space<hbm>>) dst(%arg9 : memref<32x768xf32, #tpu.memory_space<vmem>>)
    "tpu.trace_stop"() : () -> ()
    %add3A_276 = arith.constant 6144 : i32
    %add3A_277 = arith.addi %add3A_276, %mul3A_2 : i32
    %add3A_278 = arith.constant 0 : i32
    %add3A_279 = arith.addi %add3A_277, %add3A_278 : i32
    %dma_start3A_280 = arith.constant 0 : i32
    %dma_start3A_281 = tpu.memref_slice %arg5[%add3A_279, %dma_start3A_280] : memref<8192x768xf32, #tpu.memory_space<hbm>> -> memref<32x768xf32, #tpu.memory_space<hbm>>
    %dma_start3A_282 = arith.constant 0 : i32
    %dma_start3A_283 = tpu.memref_slice %arg5[%add3A_279, %dma_start3A_282] : memref<8192x768xf32, #tpu.memory_space<hbm>> -> memref<32x768xf32, #tpu.memory_space<hbm>>
    tpu.enqueue_dma source(%arg9 : memref<32x768xf32, #tpu.memory_space<vmem>>) target(%dma_start3A_283 : memref<32x768xf32, #tpu.memory_space<hbm>>) target_semaphore(%arg22 : memref<!tpu.dma_semaphore, #tpu.memory_space<semaphore_mem>>)
    "tpu.trace_start"() <{level = 10 : i32, message = "g_wait7"}> : () -> ()
    %dma_wait3A_284 = arith.constant 224 : i32
    %dma_wait3A_285 = tpu.memref_slice %arg6[%dma_wait3A_284] : memref<256xi32, #tpu.memory_space<vmem>> -> memref<32xi32, #tpu.memory_space<vmem>>
    %dma_wait3A_286 = arith.constant 0 : i32
    %dma_wait3A_287 = arith.constant 0 : i32
    %dma_wait3A_288 = tpu.memref_slice %arg3[%dma_wait3A_286, %dma_wait3A_287] : memref<100000x768xf32, #tpu.memory_space<hbm>> -> memref<100000x768xf32, #tpu.memory_space<hbm>>
    tpu.wait_indirect_dma semaphore(%arg19 : memref<!tpu.dma_semaphore, #tpu.memory_space<semaphore_mem>>) src(%dma_wait3A_288 : memref<100000x768xf32, #tpu.memory_space<hbm>>) dst(%arg10 : memref<32x768xf32, #tpu.memory_space<vmem>>)
    "tpu.trace_stop"() : () -> ()
    %add3A_289 = arith.constant 6144 : i32
    %add3A_290 = arith.addi %add3A_289, %mul3A_2 : i32
    %add3A_291 = arith.constant 32 : i32
    %add3A_292 = arith.addi %add3A_290, %add3A_291 : i32
    %dma_start3A_293 = arith.constant 0 : i32
    %dma_start3A_294 = tpu.memref_slice %arg5[%add3A_292, %dma_start3A_293] : memref<8192x768xf32, #tpu.memory_space<hbm>> -> memref<32x768xf32, #tpu.memory_space<hbm>>
    %dma_start3A_295 = arith.constant 0 : i32
    %dma_start3A_296 = tpu.memref_slice %arg5[%add3A_292, %dma_start3A_295] : memref<8192x768xf32, #tpu.memory_space<hbm>> -> memref<32x768xf32, #tpu.memory_space<hbm>>
    tpu.enqueue_dma source(%arg10 : memref<32x768xf32, #tpu.memory_space<vmem>>) target(%dma_start3A_296 : memref<32x768xf32, #tpu.memory_space<hbm>>) target_semaphore(%arg23 : memref<!tpu.dma_semaphore, #tpu.memory_space<semaphore_mem>>)
    %dma_wait3A_297 = arith.constant 0 : i32
    %dma_wait3A_298 = tpu.memref_slice %arg5[%add3A_235, %dma_wait3A_297] : memref<8192x768xf32, #tpu.memory_space<hbm>> -> memref<32x768xf32, #tpu.memory_space<hbm>>
    %dma_wait3A_299 = arith.constant 0 : i32
    %dma_wait3A_300 = tpu.memref_slice %arg5[%add3A_235, %dma_wait3A_299] : memref<8192x768xf32, #tpu.memory_space<hbm>> -> memref<32x768xf32, #tpu.memory_space<hbm>>
    tpu.wait_dma2 semaphore(%arg20 : memref<!tpu.dma_semaphore, #tpu.memory_space<semaphore_mem>>) src(%arg7 : memref<32x768xf32, #tpu.memory_space<vmem>>) dst(%dma_wait3A_300 : memref<32x768xf32, #tpu.memory_space<hbm>>)
    %dma_wait3A_301 = arith.constant 0 : i32
    %dma_wait3A_302 = tpu.memref_slice %arg5[%add3A_257, %dma_wait3A_301] : memref<8192x768xf32, #tpu.memory_space<hbm>> -> memref<32x768xf32, #tpu.memory_space<hbm>>
    %dma_wait3A_303 = arith.constant 0 : i32
    %dma_wait3A_304 = tpu.memref_slice %arg5[%add3A_257, %dma_wait3A_303] : memref<8192x768xf32, #tpu.memory_space<hbm>> -> memref<32x768xf32, #tpu.memory_space<hbm>>
    tpu.wait_dma2 semaphore(%arg21 : memref<!tpu.dma_semaphore, #tpu.memory_space<semaphore_mem>>) src(%arg8 : memref<32x768xf32, #tpu.memory_space<vmem>>) dst(%dma_wait3A_304 : memref<32x768xf32, #tpu.memory_space<hbm>>)
    %dma_wait3A_305 = arith.constant 0 : i32
    %dma_wait3A_306 = tpu.memref_slice %arg5[%add3A_279, %dma_wait3A_305] : memref<8192x768xf32, #tpu.memory_space<hbm>> -> memref<32x768xf32, #tpu.memory_space<hbm>>
    %dma_wait3A_307 = arith.constant 0 : i32
    %dma_wait3A_308 = tpu.memref_slice %arg5[%add3A_279, %dma_wait3A_307] : memref<8192x768xf32, #tpu.memory_space<hbm>> -> memref<32x768xf32, #tpu.memory_space<hbm>>
    tpu.wait_dma2 semaphore(%arg22 : memref<!tpu.dma_semaphore, #tpu.memory_space<semaphore_mem>>) src(%arg9 : memref<32x768xf32, #tpu.memory_space<vmem>>) dst(%dma_wait3A_308 : memref<32x768xf32, #tpu.memory_space<hbm>>)
    %dma_wait3A_309 = arith.constant 0 : i32
    %dma_wait3A_310 = tpu.memref_slice %arg5[%add3A_292, %dma_wait3A_309] : memref<8192x768xf32, #tpu.memory_space<hbm>> -> memref<32x768xf32, #tpu.memory_space<hbm>>
    %dma_wait3A_311 = arith.constant 0 : i32
    %dma_wait3A_312 = tpu.memref_slice %arg5[%add3A_292, %dma_wait3A_311] : memref<8192x768xf32, #tpu.memory_space<hbm>> -> memref<32x768xf32, #tpu.memory_space<hbm>>
    tpu.wait_dma2 semaphore(%arg23 : memref<!tpu.dma_semaphore, #tpu.memory_space<semaphore_mem>>) src(%arg10 : memref<32x768xf32, #tpu.memory_space<vmem>>) dst(%dma_wait3A_312 : memref<32x768xf32, #tpu.memory_space<hbm>>)
    return
  }
}

</mosaic_0001>

<sc_bundles>
// kernel: kernel.3.cloned.1.call-start
scs
__scs_entry_jumppad:
0x0: {  	(pc) =	sbr.rel $0x88, $3  }
0x1: {  	(tag) =	ssettag $0x0;
	lr =	simm.s32 $0x1  }
0x2: {  	[smem:$0x3F9E] =	sst lr;
	_ =	strace $0xD0000000  }
0x3: {  	_ = 	snop  }
0x4: {  	_ = 	snop  }
0x5: {  	_ = 	snop  }
0x6: {  	_ = 	snop  }
0x7: {  	_ = 	snop  }
__scs_overlays_trampoline_lowered:
0x8: {  	[smem:$0x3FAD] =	sst s0  }
0x9: {  	[smem:$0x3FAE] =	sst s1  }
0xa: {  	[smem:$0x3FAF] =	sst s2  }
0xb: {  	[smem:$0x3FB0] =	sst s3  }
0xc: {  	[smem:$0x3FB1] =	sst s4  }
0xd: {  	[smem:$0x3FB2] =	sst s5  }
0xe: {  	[smem:$0x3FB3] =	sst s6  }
0xf: {  	[smem:$0x3FB4] =	sst s7  }
0x10: {  	[smem:$0x3FB5] =	sst s8  }
0x11: {  	[smem:$0x3FB6] =	sst s9;
	s0 =	simm.s32 @!p0 $0x0  }
0x12: {  	s1 =	sld [smem:$0x3F9C];
	s0 =	simm.s32 @p0 $0x1  }
0x13: {  	[smem:$0x3FB7] =	sst s0;
	s0 =	simm.s32 @!p1 $0x0  }
0x14: {  	s2 =	sld [smem:$0x3F9B];
	s0 =	simm.s32 @p1 $0x1  }
0x15: {  	[smem:$0x3FB8] =	sst s0;
	s0 =	simm.s32 @!p2 $0x0  }
0x16: {  	s3 =	sld [smem:$0x3FDB];
	s0 =	simm.s32 @p2 $0x1  }
0x17: {  	s4 =	simm.s32 $0x1BF5;
	[smem:$0x3FBA] =	sst s0  }
0x18: {  	s0 =	sld [smem:$0x3F9D];
	_ =	swait.ge [sflag:s4], $0x0  }
0x19: {  	s7 =	sld [smem:$0x3F9E]  }
0x1a: {  	s8 =	sadd.s32 $0xFFFFE003, lr  }
0x1b: {  	s9 =	sadd.s32 $0xFFFFFEF7, lr;
	s5 =	simm.s32 $0xFFFFFFFF;
	p2 =	slt.u32 s8, $0xFFFFF086  }
0x1c: {  	p1 =	slt.u32 s9, $0xF7A;
	s5 =	simm.s32 @!p2 $0x0  }
0x1d: {  	s5 =	simm.s32 @p1 $0x1;
	p0 =	seq.s32 s7, s2  }
0x1e: {  	s7 =	smul.u32 @!p0 $0xF7A, s2;
	p2 =	seq.s32 @!p0 s5, $0x0  }
0x1f: {  	s9 =	smul.u32 $0xF7A, s1;
	s8 =	simm.s32 @!p0 $0x1BF5;
	p2 =	por !p2, p0  }
0x20: {  	[sflag:s8] =	ssyncset.s32 @!p0 $0xFFFFF086;
	s6 =	sadd.s32 @!p0 s3, s7;
	s7 =	simm.s32 @!p0 $0x108  }
0x21: {  	s3 =	sadd.s32 s3, s9;
	s6 =	sadd.s32 @!p0 $0x88, s6;
	s7 =	simm.s32 @p2 $0x1082  }
0x22: {  	[simem:s7], [sflag:s8] =	dma.local @!p0 [hbm:s6], $0xF7A  }
0x23: {  	s9 =	sor.u32 $0xD0000000, s2;
	s6 =	simm.s32 $0x108;
	_ =	swait.ge @!p0 [sflag:s8], $0x0  }
0x24: {  	s3 =	sadd.s32 $0x88, s3;
	s6 =	simm.s32 @!p1 $0x1082;
	[sflag:s4] =	ssyncset.s32 $0xFFFFF086  }
0x25: {  	[simem:s6], [sflag:s4] =	dma.local [hbm:s3], $0xF7A  }
0x26: {  	[smem:$0x3F9E] =	sst s1;
	(tag) =	ssettag s2;
	_ =	strace s9  }
0x27: {  	s1 =	sld [smem:$0x3FAE]  }
0x28: {  	s2 =	sld [smem:$0x3FAF]  }
0x29: {  	s4 =	sld [smem:$0x3FB1]  }
0x2a: {  	p0 =	seq.s32 s5, $0x0;
	s5 =	sld [smem:$0x3FB2]  }
0x2b: {  	s6 =	sld [smem:$0x3FB3]  }
0x2c: {  	s7 =	sld [smem:$0x3FB4]  }
0x2d: {  	s3 =	simm.s32 $0x108;
	s8 =	sld [smem:$0x3FB5]  }
0x2e: {  	s3 =	simm.s32 @!p0 $0x1082;
	s9 =	sld [smem:$0x3FB6]  }
0x2f: {  	lr =	sadd.s32 s0, s3;
	s0 =	sld [smem:$0x3FAD]  }
0x30: {  	s3 =	sld [smem:$0x3FB0]  }
0x31: {  	[smem:$0x3FB9] =	sst s10  }
0x32: {  	s10 =	sld [smem:$0x3FB7];
	_ =	sdelay $0x3  }
0x33: {  	p0 =	seq.s32 s10, $0x1;
	s10 =	sld [smem:$0x3FB9];
	_ =	sdelay $0x3  }
0x34: {  	[smem:$0x3FB9] =	sst s10  }
0x35: {  	s10 =	sld [smem:$0x3FB8];
	_ =	sdelay $0x3  }
0x36: {  	p1 =	seq.s32 s10, $0x1;
	s10 =	sld [smem:$0x3FB9];
	_ =	sdelay $0x3  }
0x37: {  	[smem:$0x3FB9] =	sst s10  }
0x38: {  	s10 =	sld [smem:$0x3FBA]  }
0x39: {  	_ = 	snop;
	(pc) =	sbr.ind lr, $3  }
0x3a: {  	_ = 	snop  }
0x3b: {  	_ = 	snop  }
0x3c: {  	p2 =	seq.s32 s10, $0x1;
	s10 =	sld [smem:$0x3FB9]  }
0x3d: {  	_ =	shalt  }
0x3e: {  	_ =	shalt  }
0x3f: {  	_ =	shalt  }
0x40: {  	_ =	shalt  }
0x41: {  	_ =	shalt  }
0x42: {  	_ =	shalt  }
0x43: {  	_ =	shalt  }
0x44: {  	_ =	shalt  }
0x45: {  	_ =	shalt  }
0x46: {  	_ =	shalt  }
0x47: {  	_ =	shalt  }
0x48: {  	_ =	shalt  }
0x49: {  	_ =	shalt  }
0x4a: {  	_ =	shalt  }
0x4b: {  	_ =	shalt  }
0x4c: {  	_ =	shalt  }
0x4d: {  	_ =	shalt  }
0x4e: {  	_ =	shalt  }
0x4f: {  	_ =	shalt  }
0x50: {  	_ =	shalt  }
0x51: {  	_ =	shalt  }
0x52: {  	_ =	shalt  }
0x53: {  	_ =	shalt  }
0x54: {  	_ =	shalt  }
0x55: {  	_ =	shalt  }
0x56: {  	_ =	shalt  }
0x57: {  	_ =	shalt  }
0x58: {  	_ =	shalt  }
0x59: {  	_ =	shalt  }
0x5a: {  	_ =	shalt  }
0x5b: {  	_ =	shalt  }
0x5c: {  	_ =	shalt  }
0x5d: {  	_ =	shalt  }
0x5e: {  	_ =	shalt  }
0x5f: {  	_ =	shalt  }
0x60: {  	_ =	shalt  }
0x61: {  	_ =	shalt  }
0x62: {  	_ =	shalt  }
0x63: {  	_ =	shalt  }
0x64: {  	_ =	shalt  }
0x65: {  	_ =	shalt  }
0x66: {  	_ =	shalt  }
0x67: {  	_ =	shalt  }
0x68: {  	_ =	shalt  }
0x69: {  	_ =	shalt  }
0x6a: {  	_ =	shalt  }
0x6b: {  	_ =	shalt  }
0x6c: {  	_ =	shalt  }
0x6d: {  	_ =	shalt  }
0x6e: {  	_ =	shalt  }
0x6f: {  	_ =	shalt  }
0x70: {  	_ =	shalt  }
0x71: {  	_ =	shalt  }
0x72: {  	_ =	shalt  }
0x73: {  	_ =	shalt  }
0x74: {  	_ =	shalt  }
0x75: {  	_ =	shalt  }
0x76: {  	_ =	shalt  }
0x77: {  	_ =	shalt  }
0x78: {  	_ =	shalt  }
0x79: {  	_ =	shalt  }
0x7a: {  	_ =	shalt  }
0x7b: {  	_ =	shalt  }
0x7c: {  	_ =	shalt  }
0x7d: {  	_ =	shalt  }
0x7e: {  	_ =	shalt  }
0x7f: {  	_ =	shalt  }
0x80: {  	_ =	shalt  }
0x81: {  	_ =	shalt  }
0x82: {  	_ =	shalt  }
0x83: {  	_ =	shalt  }
0x84: {  	_ =	shalt  }
0x85: {  	_ =	shalt  }
0x86: {  	_ =	shalt  }
0x87: {  	_ =	shalt  }
.Lfunc_end0:
.L_simem_size_0:
called_computation_lowered:
.L_overlay_start_0:
0x88: {  	s2 =	sld [smem:$0x3FD9]  }
0x89: {  	s3 =	sld [smem:$0x3FFE];
	_ =	sdelay $0x1  }
0x8a: {  	s1 =	srdreg.scid  }
0x8b: {  	s0 =	sand.u32 $0x1, s1  }
0x8c: {  	s17 =	sshll.u32 s0, $0xA;
	s2 =	sadd.s32 s3, s2  }
0x8d: {  	s2 =	sadd.s32 s2, s17  }
0x8e: {  	[smem:$0x3FC5] =	sst s2  }
0x8f: {  	_ = 	snop  }
0x90: {  	s2 =	sld [smem:$0x3FC8]  }
0x91: {  	s18 =	sld [smem:$0x3FC7]  }
0x92: {  	s4 =	sld [smem:$0x3FD0];
	(tm) =	ssettm $0x1  }
0x93: {  	s5 =	sld [smem:$0x3FFB];
	_ =	sdelay $0x3  }
0x94: {  	_ =	strace s5  }
0x95: {  	s5 =	sld [smem:$0x3FFC];
	_ =	sdelay $0x3  }
0x96: {  	_ =	strace s5  }
0x97: {  	s5 =	sld [smem:$0x3FFD];
	_ =	sdelay $0x3  }
0x98: {  	_ =	strace s5  }
0x99: {  	_ =	strace $0x8FFFFFFF  }
0x9a: {  	s19 =	sld [smem:$0x3FDB];
	_ =	sdelay $0x1  }
0x9b: {  	s6 =	simm.s32 $_scs_section_size  }
0x9c: {  	s7 =	simm.s32 $_size__tile_overlayer_lowered;
	s8 =	simm.s32 $_tile_overlayer_lowered  }
0x9d: {  	s22 =	simm.s32 $0x1BFF;
	s21 =	sshll.u32 s8, $0x1;
	s5 =	sadd.s32 s6, s19  }
0x9e: {  	s9 =	simm.s32 $0x0;
	s20 =	sshll.u32 s7, $0x1;
	s7 =	sadd.s32 s21, s5  }
0x9f: {  	[timem:s9], [sflag:s22] =	dma.local [hbm:s7], s20  }
0xa0: {  	_ =	swait.ge [sflag:s22], s20  }
0xa1: {  	s6 =	ssub.s32 $0x0, s20;
	[sflag:s22] =	ssyncset.done $0x0  }
0xa2: {  	[sflag:s22] =	ssyncadd.s32 s6;
	_ =	sdelay $0x1  }
0xa3: {  	s23 =	simm.s32 $0x1B8B  }
0xa4: {  	_ =	swait.ge [sflag:s23], $0x1  }
0xa5: {  	[sflag:s23] =	ssyncset.done $0x0  }
0xa6: {  	s25 =	simm.s32 $0x1B8E;
	s24 =	sld [smem:$0x3FFE];
	[sflag:s23] =	ssyncadd.s32 $0xFFFFFFFF  }
0xa7: {  	s26 =	simm.s32 $execute0_lowered;
	[smem:$0x3FD2] =	sst s25  }
0xa8: {  	s7 =	sshll.u32 s26, $0x1;
	_ =	strace $0x80000046;
	[dreg:$0x1] =	wrdreg $0xFFFFFFFF  }
0xa9: {  	s28 =	simm.s32 $_size_execute0_lowered;
	s5 =	sadd.s32 s5, s7;
	[dreg:$0x0] =	wrdreg $0x0  }
0xaa: {  	s7 =	sshll.u32 s28, $0x1;
	[dreg:$0x2] =	wrdreg s5  }
0xab: {  	[dreg:$0x3] =	wrdreg s7  }
0xac: {  	[dreg:$0x4] =	wrdreg $0xC0  }
0xad: {  	_ =	task [dreg:s9], $0x5FFFF  }
0xae: {  	[dreg:$0x1] =	wrdreg $0xFFFFFFFF  }
0xaf: {  	[dreg:$0x0] =	wrdreg $0x60  }
0xb0: {  	[dreg:$0x2] =	wrdreg s24  }
0xb1: {  	[dreg:$0x3] =	wrdreg s2  }
0xb2: {  	[dreg:$0x4] =	wrdreg s18  }
0xb3: {  	[dreg:$0x5] =	wrdreg s4  }
0xb4: {  	[dreg:$0x6] =	wrdreg $0x9  }
0xb5: {  	_ =	task.clear_ibuf [dreg:s9], $0x7FFFF;
	_ =	strace $0x90000046  }
0xb6: {  	s29 =	simm.s32 $0x9;
	_ =	strace $0x80000056  }
0xb7: {  	_ =	swait.ge [sflag:s29], $0x1  }
0xb8: {  	[sflag:s29] =	ssyncadd.s32 $0xFFFFFFFF  }
0xb9: {  	_ =	strace $0x90000056  }
0xba: {  	_ =	sfence  }
0xbb: {  	s30 =	sld [smem:$0x0];
	_ =	sdelay $0x2  }
0xbc: {  	s31 =	sshll.u32 s1, $0xD;
	s1 =	sshrl.u32 s1, $0x2  }
0xbd: {  	s3 =	sand.u32 $0x4000, s31;
	s1 =	sadd.s32 s1, s30  }
0xbe: {  	s0 =	sor.u32 s3, s0;
	s1 =	sshll.u32 s1, $0x11  }
0xbf: {  	s0 =	sor.u32 s1, s0  }
0xc0: {  	s0 =	sadd.s32 $0x8F2B, s0  }
0xc1: {  	[sflag:s0] =	ssyncadd.remote.s32 $0x1  }
0xc2: {  	_ =	sfence.sel $0xFFFF  }
0xc3: {  	[dreg:$0x0] =	wrdreg $0xFFFFFFFF;
	(pc) =	sbr.abs _section_cstart, $3  }
0xc4: {  	[dreg:$0x1] =	wrdreg $0xFFFFFFFF  }
0xc5: {  	_ =	task.clear_ibuf [dreg:s9], $0x2FFFF;
	_ =	strace $0x9FFFFFFF  }
0xc6: {  	(tm) =	ssettm $0x7FFFFFFF  }
0xc7: {  	_ =	shalt  }
tec
execute0_lowered:
.L_overlay_start_1:
0x0: {  	(tag) =	ssettag $0x1  }
0x1: {  	s0 =	rddreg [dreg:$0x0]  }
0x2: {  	s1 =	rddreg [dreg:$0x1]  }
0x3: {  	s2 =	rddreg [dreg:$0x2]  }
0x4: {  	s4 =	rddreg [dreg:$0x3]  }
0x5: {  	s3 =	srdreg.scid;
	s6 =	stileid.u32  }
0x6: {  	s29 =	simm.s32 $0x40;
	s30 =	simm.s32 $0x80;
	s31 =	simm.s32 $0xC0  }
0x7: {  	s13 =	simm.s32 $0x6100;
	s28 =	simm.s32 $0x2;
	s11 =	simm.s32 $0x8  }
0x8: {  	s5 =	sand.u32 $0x1, s3;
	s3 =	simm.s32 $0x0;
	s6 =	sshll.u32 s6, $0x4  }
0x9: {  	s0 =	sadd.s32 $0x400, s0;
	s7 =	sshll.u32 s5, $0x3;
	[smem:$0x7FF] =	sst s3  }
0xa: {  	s5 =	ssub.s32 $0x2, s5;
	_ =	strace $0x80000047;
	[dreg:$0x10] =	wrdreg s29  }
0xb: {  	s6 =	sor.u32 s7, s6;
	s22 =	sshrl.u32 s5, $0x1;
	[dreg:$0x11] =	wrdreg s30  }
0xc: {  	[dreg:$0x12] =	wrdreg s31;
	s7 =	sadd.s32 s0, s6;
	s8 =	sor.u32 $0x100, s6  }
0xd: {  	s9 =	sor.u32 $0x200, s6;
	s10 =	smul.u32 $0x1800, s6;
	s16 =	sor.u32 $0x300, s6  }
0xe: {  	s6 =	smul.u32 $0x300, s6;
	s24 =	ssub.s32 s5, s22;
	s22 =	simm.s32 $0x4100  }
0xf: {  	s5 =	simm.s32 $0xA;
	s14 =	sadd.s32 s0, s8;
	s8 =	smul.u32 $0x300, s8  }
0x10: {  	[dreg:$0x5] =	wrdreg s7;
	s15 =	sadd.s32 s0, s9;
	s19 =	smul.u32 $0x300, s9  }
0x11: {  	s0 =	sadd.s32 s0, s16;
	s7 =	smul.u32 $0x300, s16;
	[dreg:$0x6] =	wrdreg s14  }
0x12: {  	s9 =	smax.u32 s24, $0x1;
	s24 =	simm.s32 $0x7;
	[dreg:$0x7] =	wrdreg s15  }
0x13: {  	s10 =	sshrl.u32 s10, $0x3;
	[dreg:$0x8] =	wrdreg s0;
	s12 =	sadd.s32 s4, s6  }
0x14: {  	s16 =	sadd.s32 s2, s6;
	s14 =	simm.s32 $0xC100;
	s15 =	simm.s32 $0x12100  }
0x15: {  	s10 =	sadd.s32 $0xC00, s10;
	s18 =	sadd.s32 s4, s8;
	[dreg:$0x13] =	wrdreg s12  }
0x16: {  	s20 =	sadd.s32 $0x30C00, s12;
	s21 =	sadd.s32 s4, s19;
	[dreg:$0xa] =	wrdreg s18  }
0x17: {  	s23 =	sadd.s32 $0x60C00, s12;
	s25 =	sadd.s32 s4, s7;
	[dreg:$0xb] =	wrdreg s20  }
0x18: {  	s26 =	sadd.s32 $0x90C00, s12;
	s7 =	sadd.s32 $0x100, s1;
	[dreg:$0xc] =	wrdreg s21  }
0x19: {  	s8 =	sadd.s32 $0x200, s1;
	s12 =	simm.s32 $0x100;
	[dreg:$0xd] =	wrdreg s23  }
0x1a: {  	s17 =	sadd.s32 s4, s10;
	[dreg:$0xe] =	wrdreg s25;
	s6 =	sadd.s32 s2, s10  }
0x1b: {  	v2 =	vlaneseq.u32;
	[dreg:$0xf] =	wrdreg s26;
	s10 =	simm.s32 $0x1;
	s21 =	simm.s32 $0x2900  }
0x1c: {  	vm0 =	vmmov $0xffff;
	v1 =	vshrl.u32 v2, $0x3;
	s23 =	simm.s32 $0x4900;
	s20 =	simm.s32 $0x3;
	s2 =	simm.s32 $0x4  }
0x1d: {  	v0 =	vand.u32 $0x7, v2;
	v2 =	vor.u32 $0x8, v2;
	v1 =	vmul.u32 $0x8, v1;
	s25 =	simm.s32 $0x5;
	s26 =	simm.s32 $0xB;
	[dreg:$0x9] =	wrdreg s17  }
.LBB2_1:
0x1e: {  	s29 =	rddreg [dreg:$0x5]  }
0x1f: {  	s4 =	rddreg [dreg:$0x6]  }
0x20: {  	s30 =	rddreg [dreg:$0x10]  }
0x21: {  	s0 =	rddreg [dreg:$0x7]  }
0x22: {  	[tilespmem:s3], [sflag:$0x1] =	stream.linear.gather [hbm4b:s29+s3], $0x40, $0x38;
	[tilespmem:$0x18100] =	vst v63  }
0x23: {  	s17 =	rddreg [dreg:$0x11]  }
0x24: {  	[tilespmem:s30], [sflag:$0x1] =	stream.linear.gather [hbm4b:s4+s3], $0x40, $0x38;
	[tilespmem:$0x18100] =	vst v63  }
0x25: {  	s18 =	rddreg [dreg:$0x8]  }
0x26: {  	[tilespmem:s17], [sflag:$0x1] =	stream.linear.gather [hbm4b:s0+s3], $0x40, $0x38;
	[tilespmem:$0x18100] =	vst v63  }
0x27: {  	s31 =	rddreg [dreg:$0x12]  }
0x28: {  	[tilespmem:s31], [sflag:$0x1] =	stream.linear.gather [hbm4b:s18+s3], $0x40, $0x38;
	[tilespmem:$0x18100] =	vst v63  }
0x29: {  	_ =	swait.ge [sflag:s10], $0x40  }
0x2a: {  	[sflag:s10] =	ssyncset.done $0x0  }
0x2b: {  	[sflag:s10] =	ssyncadd.s32 $0xFFFFFFC0  }
0x2c: {  	_ =	swait.ge [sflag:s10], $0x40  }
0x2d: {  	[sflag:s10] =	ssyncset.done $0x0  }
0x2e: {  	[sflag:s10] =	ssyncadd.s32 $0xFFFFFFC0  }
0x2f: {  	_ =	swait.ge [sflag:s10], $0x40  }
0x30: {  	[sflag:s10] =	ssyncset.done $0x0  }
0x31: {  	[sflag:s10] =	ssyncadd.s32 $0xFFFFFFC0  }
0x32: {  	_ =	swait.ge [sflag:s10], $0x40  }
0x33: {  	[sflag:s10] =	ssyncset.done $0x0  }
0x34: {  	[sflag:s10] =	ssyncadd.s32 $0xFFFFFFC0  }
0x35: {  	[tilespmem:s12], [sflag:$0x2] =	stream.linear.gather [hbm4b:s16+s3], $0x6000, $0x38;
	[tilespmem:$0x18100] =	vst v63  }
0x36: {  	_ = 	snop  }
0x37: {  	[tilespmem:s13], [sflag:$0x3] =	stream.linear.gather [hbm4b:s6+s3], $0x6000, $0x38;
	[tilespmem:$0x18100] =	vst v63  }
0x38: {  	_ = 	snop  }
0x39: {  	[tilespmem:s14], [sflag:$0x4] =	stream.linear.gather [hbm4b:s16+s3], $0x6000, $0x38;
	[tilespmem:$0x18100] =	vst v63  }
0x3a: {  	_ = 	snop  }
0x3b: {  	[tilespmem:s15], [sflag:$0x5] =	stream.linear.gather [hbm4b:s6+s3], $0x6000, $0x38;
	[tilespmem:$0x18100] =	vst v63  }
0x3c: {  	_ =	swait.ge [sflag:s28], $0x6000  }
0x3d: {  	[sflag:s28] =	ssyncset.done $0x0  }
0x3e: {  	[sflag:s28] =	ssyncadd.s32 $0xFFFFA000  }
0x3f: {  	v3 =	vld [tilespmem:$0x0];
	_ =	sdelay $0x4  }
0x40: {  	v4 =	vshrl.u32 v3, $0x3  }
0x41: {  	v4 =	vmul.u32 $0x30, v4  }
0x42: {  	v3 =	vand.u32 $0x7, v3  }
0x43: {  	v3 =	vor.u32 v3, v4  }
0x44: {  	v4 =	vperm.xlane v3, v0;
	_ =	sdelay $0x1  }
0x45: {  	v4 =	vadd.s32 v1, v4;
	_ =	sdelay $0x3  }
0x46: {  	v3 =	vperm.xlane v3, v2  }
0x47: {  	[tilespmem:s12], [sflag:$0x6] =	stream.indirect_vreg.gather [hbm4b:s1+s3], $0x80, v4, vm0, $0xb8;
	[tilespmem:$0x18100] =	vst v63  }
0x48: {  	s29 =	simm.s32 $0x900;
	v3 =	vadd.s32 v1, v3  }
0x49: {  	[tilespmem:s29], [sflag:$0x6] =	stream.indirect_vreg.gather [hbm4b:s7+s3], $0x80, v4, vm0, $0xb8;
	[tilespmem:$0x18100] =	vst v63  }
0x4a: {  	s30 =	simm.s32 $0x1100  }
0x4b: {  	[tilespmem:s30], [sflag:$0x6] =	stream.indirect_vreg.gather [hbm4b:s8+s3], $0x80, v4, vm0, $0xb8;
	[tilespmem:$0x18100] =	vst v63  }
0x4c: {  	s31 =	simm.s32 $0x1900  }
0x4d: {  	[tilespmem:s31], [sflag:$0x6] =	stream.indirect_vreg.gather [hbm4b:s1+s3], $0x80, v3, vm0, $0xb8;
	[tilespmem:$0x18100] =	vst v63  }
0x4e: {  	s17 =	simm.s32 $0x2100  }
0x4f: {  	[tilespmem:s17], [sflag:$0x6] =	stream.indirect_vreg.gather [hbm4b:s7+s3], $0x80, v3, vm0, $0xb8;
	[tilespmem:$0x18100] =	vst v63  }
0x50: {  	_ = 	snop  }
0x51: {  	[tilespmem:s21], [sflag:$0x6] =	stream.indirect_vreg.gather [hbm4b:s8+s3], $0x80, v3, vm0, $0xb8;
	[tilespmem:$0x18100] =	vst v63  }
0x52: {  	v3 =	vld [tilespmem:$0x10];
	_ =	sdelay $0x4  }
0x53: {  	v49 =	vshrl.u32 v3, $0x3  }
0x54: {  	v4 =	vmul.u32 $0x30, v49  }
0x55: {  	v3 =	vand.u32 $0x7, v3  }
0x56: {  	v3 =	vor.u32 v3, v4  }
0x57: {  	v4 =	vperm.xlane v3, v0;
	_ =	sdelay $0x1  }
0x58: {  	v4 =	vadd.s32 v1, v4;
	_ =	sdelay $0x3  }
0x59: {  	s0 =	simm.s32 $0x3100;
	v3 =	vperm.xlane v3, v2  }
0x5a: {  	[tilespmem:s0], [sflag:$0x6] =	stream.indirect_vreg.gather [hbm4b:s1+s3], $0x80, v4, vm0, $0xb8;
	[tilespmem:$0x18100] =	vst v63  }
0x5b: {  	s19 =	simm.s32 $0x3900;
	v3 =	vadd.s32 v1, v3  }
0x5c: {  	[tilespmem:s19], [sflag:$0x6] =	stream.indirect_vreg.gather [hbm4b:s7+s3], $0x80, v4, vm0, $0xb8;
	[tilespmem:$0x18100] =	vst v63  }
0x5d: {  	_ = 	snop  }
0x5e: {  	[tilespmem:s22], [sflag:$0x6] =	stream.indirect_vreg.gather [hbm4b:s8+s3], $0x80, v4, vm0, $0xb8;
	[tilespmem:$0x18100] =	vst v63  }
0x5f: {  	_ = 	snop  }
0x60: {  	[tilespmem:s23], [sflag:$0x6] =	stream.indirect_vreg.gather [hbm4b:s1+s3], $0x80, v3, vm0, $0xb8;
	[tilespmem:$0x18100] =	vst v63  }
0x61: {  	s18 =	simm.s32 $0x5100  }
0x62: {  	[tilespmem:s18], [sflag:$0x6] =	stream.indirect_vreg.gather [hbm4b:s7+s3], $0x80, v3, vm0, $0xb8;
	[tilespmem:$0x18100] =	vst v63  }
0x63: {  	s19 =	simm.s32 $0x5900  }
0x64: {  	[tilespmem:s19], [sflag:$0x6] =	stream.indirect_vreg.gather [hbm4b:s8+s3], $0x80, v3, vm0, $0xb8;
	[tilespmem:$0x18100] =	vst v63  }
0x65: {  	_ =	swait.ge [sflag:s20], $0x6000  }
0x66: {  	[sflag:s20] =	ssyncset.done $0x0  }
0x67: {  	[sflag:s20] =	ssyncadd.s32 $0xFFFFA000  }
0x68: {  	v3 =	vld [tilespmem:$0x20];
	_ =	sdelay $0x4  }
0x69: {  	v50 =	vshrl.u32 v3, $0x3  }
0x6a: {  	v4 =	vmul.u32 $0x30, v50  }
0x6b: {  	v3 =	vand.u32 $0x7, v3  }
0x6c: {  	v3 =	vor.u32 v3, v4  }
0x6d: {  	v4 =	vperm.xlane v3, v0;
	_ =	sdelay $0x1  }
0x6e: {  	v4 =	vadd.s32 v1, v4;
	_ =	sdelay $0x3  }
0x6f: {  	v3 =	vperm.xlane v3, v2  }
0x70: {  	[tilespmem:s13], [sflag:$0x7] =	stream.indirect_vreg.gather [hbm4b:s1+s3], $0x80, v4, vm0, $0xb8;
	[tilespmem:$0x18100] =	vst v63  }
0x71: {  	s4 =	simm.s32 $0x6900;
	v3 =	vadd.s32 v1, v3  }
0x72: {  	[tilespmem:s4], [sflag:$0x7] =	stream.indirect_vreg.gather [hbm4b:s7+s3], $0x80, v4, vm0, $0xb8;
	[tilespmem:$0x18100] =	vst v63  }
0x73: {  	s4 =	simm.s32 $0x7100  }
0x74: {  	[tilespmem:s4], [sflag:$0x7] =	stream.indirect_vreg.gather [hbm4b:s8+s3], $0x80, v4, vm0, $0xb8;
	[tilespmem:$0x18100] =	vst v63  }
0x75: {  	s4 =	simm.s32 $0x7900  }
0x76: {  	[tilespmem:s4], [sflag:$0x7] =	stream.indirect_vreg.gather [hbm4b:s1+s3], $0x80, v3, vm0, $0xb8;
	[tilespmem:$0x18100] =	vst v63  }
0x77: {  	s4 =	simm.s32 $0x8100  }
0x78: {  	[tilespmem:s4], [sflag:$0x7] =	stream.indirect_vreg.gather [hbm4b:s7+s3], $0x80, v3, vm0, $0xb8;
	[tilespmem:$0x18100] =	vst v63  }
0x79: {  	s4 =	simm.s32 $0x8900  }
0x7a: {  	[tilespmem:s4], [sflag:$0x7] =	stream.indirect_vreg.gather [hbm4b:s8+s3], $0x80, v3, vm0, $0xb8;
	[tilespmem:$0x18100] =	vst v63  }
0x7b: {  	v3 =	vld [tilespmem:$0x30];
	_ =	sdelay $0x4  }
0x7c: {  	v51 =	vshrl.u32 v3, $0x3  }
0x7d: {  	v4 =	vmul.u32 $0x30, v51  }
0x7e: {  	v3 =	vand.u32 $0x7, v3  }
0x7f: {  	v3 =	vor.u32 v3, v4  }
0x80: {  	v4 =	vperm.xlane v3, v0;
	_ =	sdelay $0x1  }
0x81: {  	v4 =	vadd.s32 v1, v4;
	_ =	sdelay $0x3  }
0x82: {  	s4 =	simm.s32 $0x9100;
	v3 =	vperm.xlane v3, v2  }
0x83: {  	[tilespmem:s4], [sflag:$0x7] =	stream.indirect_vreg.gather [hbm4b:s1+s3], $0x80, v4, vm0, $0xb8;
	[tilespmem:$0x18100] =	vst v63  }
0x84: {  	v3 =	vadd.s32 v1, v3;
	s4 =	simm.s32 $0x9900  }
0x85: {  	[tilespmem:s4], [sflag:$0x7] =	stream.indirect_vreg.gather [hbm4b:s7+s3], $0x80, v4, vm0, $0xb8;
	[tilespmem:$0x18100] =	vst v63  }
0x86: {  	s4 =	simm.s32 $0xA100  }
0x87: {  	[tilespmem:s4], [sflag:$0x7] =	stream.indirect_vreg.gather [hbm4b:s8+s3], $0x80, v4, vm0, $0xb8;
	[tilespmem:$0x18100] =	vst v63  }
0x88: {  	s4 =	simm.s32 $0xA900  }
0x89: {  	[tilespmem:s4], [sflag:$0x7] =	stream.indirect_vreg.gather [hbm4b:s1+s3], $0x80, v3, vm0, $0xb8;
	[tilespmem:$0x18100] =	vst v63  }
0x8a: {  	s4 =	simm.s32 $0xB100  }
0x8b: {  	[tilespmem:s4], [sflag:$0x7] =	stream.indirect_vreg.gather [hbm4b:s7+s3], $0x80, v3, vm0, $0xb8;
	[tilespmem:$0x18100] =	vst v63  }
0x8c: {  	s4 =	simm.s32 $0xB900  }
0x8d: {  	[tilespmem:s4], [sflag:$0x7] =	stream.indirect_vreg.gather [hbm4b:s8+s3], $0x80, v3, vm0, $0xb8;
	[tilespmem:$0x18100] =	vst v63  }
0x8e: {  	s0 =	simm.s32 $0x6;
	_ =	strace $0x80000048  }
0x8f: {  	_ =	swait.ge [sflag:s0], $0x6000  }
0x90: {  	[sflag:s0] =	ssyncset.done $0x0  }
0x91: {  	[sflag:s0] =	ssyncadd.s32 $0xFFFFA000  }
0x92: {  	_ =	strace $0x90000048  }
0x93: {  	s4 =	rddreg [dreg:$0x13]  }
0x94: {  	[hbm4b:s4+s3] =	stream.linear.scatter [tilespmem:s12], [sflag:$0xA], $0x6000, $0x38;
	[tilespmem:$0x18100] =	vst v63  }
0x95: {  	_ =	strace $0x80000049  }
0x96: {  	_ =	swait.ge [sflag:s2], $0x6000  }
0x97: {  	[sflag:s2] =	ssyncset.done $0x0  }
0x98: {  	[sflag:s2] =	ssyncadd.s32 $0xFFFFA000  }
0x99: {  	v3 =	vld [tilespmem:$0x40];
	_ =	sdelay $0x4  }
0x9a: {  	v52 =	vshrl.u32 v3, $0x3  }
0x9b: {  	v4 =	vmul.u32 $0x30, v52  }
0x9c: {  	v3 =	vand.u32 $0x7, v3  }
0x9d: {  	v3 =	vor.u32 v3, v4  }
0x9e: {  	v4 =	vperm.xlane v3, v0;
	_ =	sdelay $0x1  }
0x9f: {  	v4 =	vadd.s32 v1, v4;
	_ =	sdelay $0x3  }
0xa0: {  	v3 =	vperm.xlane v3, v2  }
0xa1: {  	[tilespmem:s14], [sflag:$0x8] =	stream.indirect_vreg.gather [hbm4b:s1+s3], $0x80, v4, vm0, $0x2000b8;
	[tilespmem:$0x18100] =	vst v63  }
0xa2: {  	s4 =	simm.s32 $0xC900;
	v3 =	vadd.s32 v1, v3  }
0xa3: {  	[tilespmem:s4], [sflag:$0x8] =	stream.indirect_vreg.gather [hbm4b:s7+s3], $0x80, v4, vm0, $0x2000b8;
	[tilespmem:$0x18100] =	vst v63  }
0xa4: {  	s4 =	simm.s32 $0xD100  }
0xa5: {  	[tilespmem:s4], [sflag:$0x8] =	stream.indirect_vreg.gather [hbm4b:s8+s3], $0x80, v4, vm0, $0x2000b8;
	[tilespmem:$0x18100] =	vst v63  }
0xa6: {  	s4 =	simm.s32 $0xD900  }
0xa7: {  	[tilespmem:s4], [sflag:$0x8] =	stream.indirect_vreg.gather [hbm4b:s1+s3], $0x80, v3, vm0, $0x2000b8;
	[tilespmem:$0x18100] =	vst v63  }
0xa8: {  	s4 =	simm.s32 $0xE100  }
0xa9: {  	[tilespmem:s4], [sflag:$0x8] =	stream.indirect_vreg.gather [hbm4b:s7+s3], $0x80, v3, vm0, $0x2000b8;
	[tilespmem:$0x18100] =	vst v63  }
0xaa: {  	s4 =	simm.s32 $0xE900  }
0xab: {  	[tilespmem:s4], [sflag:$0x8] =	stream.indirect_vreg.gather [hbm4b:s8+s3], $0x80, v3, vm0, $0x2000b8;
	[tilespmem:$0x18100] =	vst v63  }
0xac: {  	v3 =	vld [tilespmem:$0x50];
	_ =	sdelay $0x4  }
0xad: {  	v53 =	vshrl.u32 v3, $0x3  }
0xae: {  	v4 =	vmul.u32 $0x30, v53  }
0xaf: {  	v3 =	vand.u32 $0x7, v3  }
0xb0: {  	v3 =	vor.u32 v3, v4  }
0xb1: {  	v4 =	vperm.xlane v3, v0;
	_ =	sdelay $0x1  }
0xb2: {  	v4 =	vadd.s32 v1, v4;
	_ =	sdelay $0x3  }
0xb3: {  	s4 =	simm.s32 $0xF100;
	v3 =	vperm.xlane v3, v2  }
0xb4: {  	[tilespmem:s4], [sflag:$0x8] =	stream.indirect_vreg.gather [hbm4b:s1+s3], $0x80, v4, vm0, $0x2000b8;
	[tilespmem:$0x18100] =	vst v63  }
0xb5: {  	v3 =	vadd.s32 v1, v3;
	s4 =	simm.s32 $0xF900  }
0xb6: {  	[tilespmem:s4], [sflag:$0x8] =	stream.indirect_vreg.gather [hbm4b:s7+s3], $0x80, v4, vm0, $0x2000b8;
	[tilespmem:$0x18100] =	vst v63  }
0xb7: {  	s4 =	simm.s32 $0x10100  }
0xb8: {  	[tilespmem:s4], [sflag:$0x8] =	stream.indirect_vreg.gather [hbm4b:s8+s3], $0x80, v4, vm0, $0x2000b8;
	[tilespmem:$0x18100] =	vst v63  }
0xb9: {  	s4 =	simm.s32 $0x10900  }
0xba: {  	[tilespmem:s4], [sflag:$0x8] =	stream.indirect_vreg.gather [hbm4b:s1+s3], $0x80, v3, vm0, $0x2000b8;
	[tilespmem:$0x18100] =	vst v63  }
0xbb: {  	s4 =	simm.s32 $0x11100  }
0xbc: {  	[tilespmem:s4], [sflag:$0x8] =	stream.indirect_vreg.gather [hbm4b:s7+s3], $0x80, v3, vm0, $0x2000b8;
	[tilespmem:$0x18100] =	vst v63  }
0xbd: {  	s4 =	simm.s32 $0x11900  }
0xbe: {  	[tilespmem:s4], [sflag:$0x8] =	stream.indirect_vreg.gather [hbm4b:s8+s3], $0x80, v3, vm0, $0x2000b8;
	[tilespmem:$0x18100] =	vst v63  }
0xbf: {  	_ =	swait.ge [sflag:s5], $0x6000  }
0xc0: {  	[sflag:s5] =	ssyncset.done $0x0  }
0xc1: {  	[sflag:s5] =	ssyncadd.s32 $0xFFFFA000  }
0xc2: {  	[tilespmem:s12], [sflag:$0x2] =	stream.linear.gather [hbm4b:s16+s3], $0x6000, $0x200038;
	[tilespmem:$0x18100] =	vst v63  }
0xc3: {  	_ =	strace $0x90000049  }
0xc4: {  	_ =	strace $0x8000004A  }
0xc5: {  	_ =	swait.ge [sflag:s24], $0x6000  }
0xc6: {  	[sflag:s24] =	ssyncset.done $0x0  }
0xc7: {  	[sflag:s24] =	ssyncadd.s32 $0xFFFFA000  }
0xc8: {  	_ =	strace $0x9000004A  }
0xc9: {  	s4 =	rddreg [dreg:$0x9]  }
0xca: {  	[hbm4b:s4+s3] =	stream.linear.scatter [tilespmem:s13], [sflag:$0xB], $0x6000, $0x38;
	[tilespmem:$0x18100] =	vst v63  }
0xcb: {  	_ =	strace $0x8000004B  }
0xcc: {  	_ =	swait.ge [sflag:s25], $0x6000  }
0xcd: {  	[sflag:s25] =	ssyncset.done $0x0  }
0xce: {  	[sflag:s25] =	ssyncadd.s32 $0xFFFFA000  }
0xcf: {  	v3 =	vld [tilespmem:$0x60];
	_ =	sdelay $0x4  }
0xd0: {  	v54 =	vshrl.u32 v3, $0x3  }
0xd1: {  	v4 =	vmul.u32 $0x30, v54  }
0xd2: {  	v3 =	vand.u32 $0x7, v3  }
0xd3: {  	v3 =	vor.u32 v3, v4  }
0xd4: {  	v4 =	vperm.xlane v3, v0;
	_ =	sdelay $0x1  }
0xd5: {  	v4 =	vadd.s32 v1, v4;
	_ =	sdelay $0x3  }
0xd6: {  	v3 =	vperm.xlane v3, v2  }
0xd7: {  	[tilespmem:s15], [sflag:$0x9] =	stream.indirect_vreg.gather [hbm4b:s1+s3], $0x80, v4, vm0, $0x2000b8;
	[tilespmem:$0x18100] =	vst v63  }
0xd8: {  	s4 =	simm.s32 $0x12900;
	v3 =	vadd.s32 v1, v3  }
0xd9: {  	[tilespmem:s4], [sflag:$0x9] =	stream.indirect_vreg.gather [hbm4b:s7+s3], $0x80, v4, vm0, $0x2000b8;
	[tilespmem:$0x18100] =	vst v63  }
0xda: {  	s4 =	simm.s32 $0x13100  }
0xdb: {  	[tilespmem:s4], [sflag:$0x9] =	stream.indirect_vreg.gather [hbm4b:s8+s3], $0x80, v4, vm0, $0x2000b8;
	[tilespmem:$0x18100] =	vst v63  }
0xdc: {  	s4 =	simm.s32 $0x13900  }
0xdd: {  	[tilespmem:s4], [sflag:$0x9] =	stream.indirect_vreg.gather [hbm4b:s1+s3], $0x80, v3, vm0, $0x2000b8;
	[tilespmem:$0x18100] =	vst v63  }
0xde: {  	s4 =	simm.s32 $0x14100  }
0xdf: {  	[tilespmem:s4], [sflag:$0x9] =	stream.indirect_vreg.gather [hbm4b:s7+s3], $0x80, v3, vm0, $0x2000b8;
	[tilespmem:$0x18100] =	vst v63  }
0xe0: {  	s4 =	simm.s32 $0x14900  }
0xe1: {  	[tilespmem:s4], [sflag:$0x9] =	stream.indirect_vreg.gather [hbm4b:s8+s3], $0x80, v3, vm0, $0x2000b8;
	[tilespmem:$0x18100] =	vst v63  }
0xe2: {  	v3 =	vld [tilespmem:$0x70];
	_ =	sdelay $0x4  }
0xe3: {  	v55 =	vshrl.u32 v3, $0x3  }
0xe4: {  	v4 =	vmul.u32 $0x30, v55  }
0xe5: {  	v3 =	vand.u32 $0x7, v3  }
0xe6: {  	v3 =	vor.u32 v3, v4  }
0xe7: {  	v4 =	vperm.xlane v3, v0;
	_ =	sdelay $0x1  }
0xe8: {  	v4 =	vadd.s32 v1, v4;
	_ =	sdelay $0x3  }
0xe9: {  	s4 =	simm.s32 $0x15100;
	v3 =	vperm.xlane v3, v2  }
0xea: {  	[tilespmem:s4], [sflag:$0x9] =	stream.indirect_vreg.gather [hbm4b:s1+s3], $0x80, v4, vm0, $0x2000b8;
	[tilespmem:$0x18100] =	vst v63  }
0xeb: {  	v3 =	vadd.s32 v1, v3;
	s4 =	simm.s32 $0x15900  }
0xec: {  	[tilespmem:s4], [sflag:$0x9] =	stream.indirect_vreg.gather [hbm4b:s7+s3], $0x80, v4, vm0, $0x2000b8;
	[tilespmem:$0x18100] =	vst v63  }
0xed: {  	s4 =	simm.s32 $0x16100  }
0xee: {  	[tilespmem:s4], [sflag:$0x9] =	stream.indirect_vreg.gather [hbm4b:s8+s3], $0x80, v4, vm0, $0x2000b8;
	[tilespmem:$0x18100] =	vst v63  }
0xef: {  	s4 =	simm.s32 $0x16900  }
0xf0: {  	[tilespmem:s4], [sflag:$0x9] =	stream.indirect_vreg.gather [hbm4b:s1+s3], $0x80, v3, vm0, $0x2000b8;
	[tilespmem:$0x18100] =	vst v63  }
0xf1: {  	s4 =	simm.s32 $0x17100  }
0xf2: {  	[tilespmem:s4], [sflag:$0x9] =	stream.indirect_vreg.gather [hbm4b:s7+s3], $0x80, v3, vm0, $0x2000b8;
	[tilespmem:$0x18100] =	vst v63  }
0xf3: {  	s4 =	simm.s32 $0x17900  }
0xf4: {  	[tilespmem:s4], [sflag:$0x9] =	stream.indirect_vreg.gather [hbm4b:s8+s3], $0x80, v3, vm0, $0x2000b8;
	[tilespmem:$0x18100] =	vst v63  }
0xf5: {  	_ =	swait.ge [sflag:s26], $0x6000  }
0xf6: {  	[sflag:s26] =	ssyncset.done $0x0  }
0xf7: {  	[sflag:s26] =	ssyncadd.s32 $0xFFFFA000  }
0xf8: {  	[tilespmem:s13], [sflag:$0x3] =	stream.linear.gather [hbm4b:s6+s3], $0x6000, $0x200038;
	[tilespmem:$0x18100] =	vst v63  }
0xf9: {  	_ =	strace $0x9000004B  }
0xfa: {  	_ =	strace $0x8000004C  }
0xfb: {  	_ =	swait.ge [sflag:s11], $0x6000  }
0xfc: {  	[sflag:s11] =	ssyncset.done $0x0  }
0xfd: {  	[sflag:s11] =	ssyncadd.s32 $0xFFFFA000  }
0xfe: {  	_ =	strace $0x9000004C  }
0xff: {  	s4 =	rddreg [dreg:$0xa]  }
0x100: {  	[hbm4b:s4+s3] =	stream.linear.scatter [tilespmem:s14], [sflag:$0xC], $0x6000, $0x38;
	[tilespmem:$0x18100] =	vst v63  }
0x101: {  	_ =	strace $0x8000004D  }
0x102: {  	_ =	swait.ge [sflag:s28], $0x6000  }
0x103: {  	[sflag:s28] =	ssyncset.done $0x0  }
0x104: {  	[sflag:s28] =	ssyncadd.s32 $0xFFFFA000  }
0x105: {  	v3 =	vld [tilespmem:$0x80];
	_ =	sdelay $0x4  }
0x106: {  	v56 =	vshrl.u32 v3, $0x3  }
0x107: {  	v4 =	vmul.u32 $0x30, v56  }
0x108: {  	v3 =	vand.u32 $0x7, v3  }
0x109: {  	v3 =	vor.u32 v3, v4  }
0x10a: {  	v4 =	vperm.xlane v3, v0;
	_ =	sdelay $0x1  }
0x10b: {  	v4 =	vadd.s32 v1, v4;
	_ =	sdelay $0x3  }
0x10c: {  	v3 =	vperm.xlane v3, v2  }
0x10d: {  	[tilespmem:s12], [sflag:$0x6] =	stream.indirect_vreg.gather [hbm4b:s1+s3], $0x80, v4, vm0, $0x2000b8;
	[tilespmem:$0x18100] =	vst v63  }
0x10e: {  	v3 =	vadd.s32 v1, v3  }
0x10f: {  	[tilespmem:s29], [sflag:$0x6] =	stream.indirect_vreg.gather [hbm4b:s7+s3], $0x80, v4, vm0, $0x2000b8;
	[tilespmem:$0x18100] =	vst v63  }
0x110: {  	_ = 	snop  }
0x111: {  	[tilespmem:s30], [sflag:$0x6] =	stream.indirect_vreg.gather [hbm4b:s8+s3], $0x80, v4, vm0, $0x2000b8;
	[tilespmem:$0x18100] =	vst v63  }
0x112: {  	_ = 	snop  }
0x113: {  	[tilespmem:s31], [sflag:$0x6] =	stream.indirect_vreg.gather [hbm4b:s1+s3], $0x80, v3, vm0, $0x2000b8;
	[tilespmem:$0x18100] =	vst v63  }
0x114: {  	_ = 	snop  }
0x115: {  	[tilespmem:s17], [sflag:$0x6] =	stream.indirect_vreg.gather [hbm4b:s7+s3], $0x80, v3, vm0, $0x2000b8;
	[tilespmem:$0x18100] =	vst v63  }
0x116: {  	_ = 	snop  }
0x117: {  	[tilespmem:s21], [sflag:$0x6] =	stream.indirect_vreg.gather [hbm4b:s8+s3], $0x80, v3, vm0, $0x2000b8;
	[tilespmem:$0x18100] =	vst v63  }
0x118: {  	v3 =	vld [tilespmem:$0x90];
	_ =	sdelay $0x4  }
0x119: {  	v57 =	vshrl.u32 v3, $0x3  }
0x11a: {  	v4 =	vmul.u32 $0x30, v57  }
0x11b: {  	v3 =	vand.u32 $0x7, v3  }
0x11c: {  	v3 =	vor.u32 v3, v4  }
0x11d: {  	v4 =	vperm.xlane v3, v0;
	_ =	sdelay $0x1  }
0x11e: {  	v4 =	vadd.s32 v1, v4;
	_ =	sdelay $0x3  }
0x11f: {  	s17 =	simm.s32 $0x3100;
	v3 =	vperm.xlane v3, v2  }
0x120: {  	[tilespmem:s17], [sflag:$0x6] =	stream.indirect_vreg.gather [hbm4b:s1+s3], $0x80, v4, vm0, $0x2000b8;
	[tilespmem:$0x18100] =	vst v63  }
0x121: {  	s29 =	simm.s32 $0x3900;
	v3 =	vadd.s32 v1, v3  }
0x122: {  	[tilespmem:s29], [sflag:$0x6] =	stream.indirect_vreg.gather [hbm4b:s7+s3], $0x80, v4, vm0, $0x2000b8;
	[tilespmem:$0x18100] =	vst v63  }
0x123: {  	_ = 	snop  }
0x124: {  	[tilespmem:s22], [sflag:$0x6] =	stream.indirect_vreg.gather [hbm4b:s8+s3], $0x80, v4, vm0, $0x2000b8;
	[tilespmem:$0x18100] =	vst v63  }
0x125: {  	_ = 	snop  }
0x126: {  	[tilespmem:s23], [sflag:$0x6] =	stream.indirect_vreg.gather [hbm4b:s1+s3], $0x80, v3, vm0, $0x2000b8;
	[tilespmem:$0x18100] =	vst v63  }
0x127: {  	_ = 	snop  }
0x128: {  	[tilespmem:s18], [sflag:$0x6] =	stream.indirect_vreg.gather [hbm4b:s7+s3], $0x80, v3, vm0, $0x2000b8;
	[tilespmem:$0x18100] =	vst v63  }
0x129: {  	s17 =	simm.s32 $0xC  }
0x12a: {  	[tilespmem:s19], [sflag:$0x6] =	stream.indirect_vreg.gather [hbm4b:s8+s3], $0x80, v3, vm0, $0x2000b8;
	[tilespmem:$0x18100] =	vst v63  }
0x12b: {  	_ =	swait.ge [sflag:s17], $0x6000  }
0x12c: {  	[sflag:s17] =	ssyncset.done $0x0  }
0x12d: {  	[sflag:s17] =	ssyncadd.s32 $0xFFFFA000  }
0x12e: {  	[tilespmem:s14], [sflag:$0x4] =	stream.linear.gather [hbm4b:s16+s3], $0x6000, $0x200038;
	[tilespmem:$0x18100] =	vst v63  }
0x12f: {  	_ =	strace $0x9000004D  }
0x130: {  	s18 =	simm.s32 $0x9;
	_ =	strace $0x8000004E  }
0x131: {  	_ =	swait.ge [sflag:s18], $0x6000  }
0x132: {  	[sflag:s18] =	ssyncset.done $0x0  }
0x133: {  	[sflag:s18] =	ssyncadd.s32 $0xFFFFA000  }
0x134: {  	_ =	strace $0x9000004E  }
0x135: {  	s30 =	rddreg [dreg:$0xb]  }
0x136: {  	[hbm4b:s30+s3] =	stream.linear.scatter [tilespmem:s15], [sflag:$0xD], $0x6000, $0x38;
	[tilespmem:$0x18100] =	vst v63  }
0x137: {  	_ =	strace $0x8000004F  }
0x138: {  	_ =	swait.ge [sflag:s20], $0x6000  }
0x139: {  	[sflag:s20] =	ssyncset.done $0x0  }
0x13a: {  	[sflag:s20] =	ssyncadd.s32 $0xFFFFA000  }
0x13b: {  	v3 =	vld [tilespmem:$0xA0];
	_ =	sdelay $0x4  }
0x13c: {  	v58 =	vshrl.u32 v3, $0x3  }
0x13d: {  	v4 =	vmul.u32 $0x30, v58  }
0x13e: {  	v3 =	vand.u32 $0x7, v3  }
0x13f: {  	v3 =	vor.u32 v3, v4  }
0x140: {  	v4 =	vperm.xlane v3, v0;
	_ =	sdelay $0x1  }
0x141: {  	v4 =	vadd.s32 v1, v4;
	_ =	sdelay $0x3  }
0x142: {  	v3 =	vperm.xlane v3, v2  }
0x143: {  	[tilespmem:s13], [sflag:$0x7] =	stream.indirect_vreg.gather [hbm4b:s1+s3], $0x80, v4, vm0, $0x2000b8;
	[tilespmem:$0x18100] =	vst v63  }
0x144: {  	s31 =	simm.s32 $0x6900;
	v3 =	vadd.s32 v1, v3  }
0x145: {  	[tilespmem:s31], [sflag:$0x7] =	stream.indirect_vreg.gather [hbm4b:s7+s3], $0x80, v4, vm0, $0x2000b8;
	[tilespmem:$0x18100] =	vst v63  }
0x146: {  	s19 =	simm.s32 $0x7100  }
0x147: {  	[tilespmem:s19], [sflag:$0x7] =	stream.indirect_vreg.gather [hbm4b:s8+s3], $0x80, v4, vm0, $0x2000b8;
	[tilespmem:$0x18100] =	vst v63  }
0x148: {  	s29 =	simm.s32 $0x7900  }
0x149: {  	[tilespmem:s29], [sflag:$0x7] =	stream.indirect_vreg.gather [hbm4b:s1+s3], $0x80, v3, vm0, $0x2000b8;
	[tilespmem:$0x18100] =	vst v63  }
0x14a: {  	s30 =	simm.s32 $0x8100  }
0x14b: {  	[tilespmem:s30], [sflag:$0x7] =	stream.indirect_vreg.gather [hbm4b:s7+s3], $0x80, v3, vm0, $0x2000b8;
	[tilespmem:$0x18100] =	vst v63  }
0x14c: {  	s31 =	simm.s32 $0x8900  }
0x14d: {  	[tilespmem:s31], [sflag:$0x7] =	stream.indirect_vreg.gather [hbm4b:s8+s3], $0x80, v3, vm0, $0x2000b8;
	[tilespmem:$0x18100] =	vst v63  }
0x14e: {  	v3 =	vld [tilespmem:$0xB0];
	_ =	sdelay $0x4  }
0x14f: {  	v59 =	vshrl.u32 v3, $0x3  }
0x150: {  	v4 =	vmul.u32 $0x30, v59  }
0x151: {  	v3 =	vand.u32 $0x7, v3  }
0x152: {  	v3 =	vor.u32 v3, v4  }
0x153: {  	v4 =	vperm.xlane v3, v0;
	_ =	sdelay $0x1  }
0x154: {  	v4 =	vadd.s32 v1, v4;
	_ =	sdelay $0x3  }
0x155: {  	s19 =	simm.s32 $0x9100;
	v3 =	vperm.xlane v3, v2  }
0x156: {  	[tilespmem:s19], [sflag:$0x7] =	stream.indirect_vreg.gather [hbm4b:s1+s3], $0x80, v4, vm0, $0x2000b8;
	[tilespmem:$0x18100] =	vst v63  }
0x157: {  	s29 =	simm.s32 $0x9900;
	v3 =	vadd.s32 v1, v3  }
0x158: {  	[tilespmem:s29], [sflag:$0x7] =	stream.indirect_vreg.gather [hbm4b:s7+s3], $0x80, v4, vm0, $0x2000b8;
	[tilespmem:$0x18100] =	vst v63  }
0x159: {  	s30 =	simm.s32 $0xA100  }
0x15a: {  	[tilespmem:s30], [sflag:$0x7] =	stream.indirect_vreg.gather [hbm4b:s8+s3], $0x80, v4, vm0, $0x2000b8;
	[tilespmem:$0x18100] =	vst v63  }
0x15b: {  	s31 =	simm.s32 $0xA900  }
0x15c: {  	[tilespmem:s31], [sflag:$0x7] =	stream.indirect_vreg.gather [hbm4b:s1+s3], $0x80, v3, vm0, $0x2000b8;
	[tilespmem:$0x18100] =	vst v63  }
0x15d: {  	s19 =	simm.s32 $0xB100  }
0x15e: {  	[tilespmem:s19], [sflag:$0x7] =	stream.indirect_vreg.gather [hbm4b:s7+s3], $0x80, v3, vm0, $0x2000b8;
	[tilespmem:$0x18100] =	vst v63  }
0x15f: {  	s29 =	simm.s32 $0xB900;
	s19 =	simm.s32 $0xD  }
0x160: {  	[tilespmem:s29], [sflag:$0x7] =	stream.indirect_vreg.gather [hbm4b:s8+s3], $0x80, v3, vm0, $0x2000b8;
	[tilespmem:$0x18100] =	vst v63  }
0x161: {  	_ =	swait.ge [sflag:s19], $0x6000  }
0x162: {  	[sflag:s19] =	ssyncset.done $0x0  }
0x163: {  	[sflag:s19] =	ssyncadd.s32 $0xFFFFA000  }
0x164: {  	[tilespmem:s15], [sflag:$0x5] =	stream.linear.gather [hbm4b:s6+s3], $0x6000, $0x200038;
	[tilespmem:$0x18100] =	vst v63  }
0x165: {  	_ =	strace $0x9000004F  }
0x166: {  	_ =	strace $0x80000050  }
0x167: {  	_ =	swait.ge [sflag:s0], $0x6000  }
0x168: {  	[sflag:s0] =	ssyncset.done $0x0  }
0x169: {  	[sflag:s0] =	ssyncadd.s32 $0xFFFFA000  }
0x16a: {  	_ =	strace $0x90000050  }
0x16b: {  	s30 =	rddreg [dreg:$0xc]  }
0x16c: {  	[hbm4b:s30+s3] =	stream.linear.scatter [tilespmem:s12], [sflag:$0xA], $0x6000, $0x38;
	[tilespmem:$0x18100] =	vst v63  }
0x16d: {  	_ =	strace $0x80000051  }
0x16e: {  	_ =	swait.ge [sflag:s2], $0x6000  }
0x16f: {  	[sflag:s2] =	ssyncset.done $0x0  }
0x170: {  	[sflag:s2] =	ssyncadd.s32 $0xFFFFA000  }
0x171: {  	v3 =	vld [tilespmem:$0xC0];
	_ =	sdelay $0x4  }
0x172: {  	v60 =	vshrl.u32 v3, $0x3  }
0x173: {  	v4 =	vmul.u32 $0x30, v60  }
0x174: {  	v3 =	vand.u32 $0x7, v3  }
0x175: {  	v3 =	vor.u32 v3, v4  }
0x176: {  	v4 =	vperm.xlane v3, v0;
	_ =	sdelay $0x1  }
0x177: {  	v4 =	vadd.s32 v1, v4;
	_ =	sdelay $0x3  }
0x178: {  	v3 =	vperm.xlane v3, v2  }
0x179: {  	[tilespmem:s14], [sflag:$0x8] =	stream.indirect_vreg.gather [hbm4b:s1+s3], $0x80, v4, vm0, $0x2000b8;
	[tilespmem:$0x18100] =	vst v63  }
0x17a: {  	s31 =	simm.s32 $0xC900;
	v3 =	vadd.s32 v1, v3  }
0x17b: {  	[tilespmem:s31], [sflag:$0x8] =	stream.indirect_vreg.gather [hbm4b:s7+s3], $0x80, v4, vm0, $0x2000b8;
	[tilespmem:$0x18100] =	vst v63  }
0x17c: {  	s4 =	simm.s32 $0xD100  }
0x17d: {  	[tilespmem:s4], [sflag:$0x8] =	stream.indirect_vreg.gather [hbm4b:s8+s3], $0x80, v4, vm0, $0x2000b8;
	[tilespmem:$0x18100] =	vst v63  }
0x17e: {  	s29 =	simm.s32 $0xD900  }
0x17f: {  	[tilespmem:s29], [sflag:$0x8] =	stream.indirect_vreg.gather [hbm4b:s1+s3], $0x80, v3, vm0, $0x2000b8;
	[tilespmem:$0x18100] =	vst v63  }
0x180: {  	s30 =	simm.s32 $0xE100  }
0x181: {  	[tilespmem:s30], [sflag:$0x8] =	stream.indirect_vreg.gather [hbm4b:s7+s3], $0x80, v3, vm0, $0x2000b8;
	[tilespmem:$0x18100] =	vst v63  }
0x182: {  	s31 =	simm.s32 $0xE900  }
0x183: {  	[tilespmem:s31], [sflag:$0x8] =	stream.indirect_vreg.gather [hbm4b:s8+s3], $0x80, v3, vm0, $0x2000b8;
	[tilespmem:$0x18100] =	vst v63  }
0x184: {  	v3 =	vld [tilespmem:$0xD0];
	_ =	sdelay $0x4  }
0x185: {  	v61 =	vshrl.u32 v3, $0x3  }
0x186: {  	v4 =	vmul.u32 $0x30, v61  }
0x187: {  	v3 =	vand.u32 $0x7, v3  }
0x188: {  	v3 =	vor.u32 v3, v4  }
0x189: {  	v4 =	vperm.xlane v3, v0;
	_ =	sdelay $0x1  }
0x18a: {  	v4 =	vadd.s32 v1, v4;
	_ =	sdelay $0x3  }
0x18b: {  	s4 =	simm.s32 $0xF100;
	v3 =	vperm.xlane v3, v2  }
0x18c: {  	[tilespmem:s4], [sflag:$0x8] =	stream.indirect_vreg.gather [hbm4b:s1+s3], $0x80, v4, vm0, $0x2000b8;
	[tilespmem:$0x18100] =	vst v63  }
0x18d: {  	s29 =	simm.s32 $0xF900;
	v3 =	vadd.s32 v1, v3  }
0x18e: {  	[tilespmem:s29], [sflag:$0x8] =	stream.indirect_vreg.gather [hbm4b:s7+s3], $0x80, v4, vm0, $0x2000b8;
	[tilespmem:$0x18100] =	vst v63  }
0x18f: {  	s30 =	simm.s32 $0x10100  }
0x190: {  	[tilespmem:s30], [sflag:$0x8] =	stream.indirect_vreg.gather [hbm4b:s8+s3], $0x80, v4, vm0, $0x2000b8;
	[tilespmem:$0x18100] =	vst v63  }
0x191: {  	s31 =	simm.s32 $0x10900  }
0x192: {  	[tilespmem:s31], [sflag:$0x8] =	stream.indirect_vreg.gather [hbm4b:s1+s3], $0x80, v3, vm0, $0x2000b8;
	[tilespmem:$0x18100] =	vst v63  }
0x193: {  	s4 =	simm.s32 $0x11100  }
0x194: {  	[tilespmem:s4], [sflag:$0x8] =	stream.indirect_vreg.gather [hbm4b:s7+s3], $0x80, v3, vm0, $0x2000b8;
	[tilespmem:$0x18100] =	vst v63  }
0x195: {  	s29 =	simm.s32 $0x11900  }
0x196: {  	[tilespmem:s29], [sflag:$0x8] =	stream.indirect_vreg.gather [hbm4b:s8+s3], $0x80, v3, vm0, $0x2000b8;
	[tilespmem:$0x18100] =	vst v63  }
0x197: {  	_ =	strace $0x90000051  }
0x198: {  	_ =	strace $0x80000052  }
0x199: {  	_ =	swait.ge [sflag:s24], $0x6000  }
0x19a: {  	[sflag:s24] =	ssyncset.done $0x0  }
0x19b: {  	[sflag:s24] =	ssyncadd.s32 $0xFFFFA000  }
0x19c: {  	_ =	strace $0x90000052  }
0x19d: {  	s30 =	rddreg [dreg:$0xd]  }
0x19e: {  	[hbm4b:s30+s3] =	stream.linear.scatter [tilespmem:s13], [sflag:$0xB], $0x6000, $0x38;
	[tilespmem:$0x18100] =	vst v63  }
0x19f: {  	_ =	strace $0x80000053  }
0x1a0: {  	_ =	swait.ge [sflag:s25], $0x6000  }
0x1a1: {  	[sflag:s25] =	ssyncset.done $0x0  }
0x1a2: {  	[sflag:s25] =	ssyncadd.s32 $0xFFFFA000  }
0x1a3: {  	v3 =	vld [tilespmem:$0xE0];
	_ =	sdelay $0x4  }
0x1a4: {  	v62 =	vshrl.u32 v3, $0x3  }
0x1a5: {  	v4 =	vmul.u32 $0x30, v62  }
0x1a6: {  	v3 =	vand.u32 $0x7, v3  }
0x1a7: {  	v3 =	vor.u32 v3, v4  }
0x1a8: {  	v4 =	vperm.xlane v3, v0;
	_ =	sdelay $0x1  }
0x1a9: {  	v4 =	vadd.s32 v1, v4;
	_ =	sdelay $0x3  }
0x1aa: {  	v3 =	vperm.xlane v3, v2  }
0x1ab: {  	[tilespmem:s15], [sflag:$0x9] =	stream.indirect_vreg.gather [hbm4b:s1+s3], $0x80, v4, vm0, $0x2000b8;
	[tilespmem:$0x18100] =	vst v63  }
0x1ac: {  	s31 =	simm.s32 $0x12900;
	v3 =	vadd.s32 v1, v3  }
0x1ad: {  	[tilespmem:s31], [sflag:$0x9] =	stream.indirect_vreg.gather [hbm4b:s7+s3], $0x80, v4, vm0, $0x2000b8;
	[tilespmem:$0x18100] =	vst v63  }
0x1ae: {  	s4 =	simm.s32 $0x13100  }
0x1af: {  	[tilespmem:s4], [sflag:$0x9] =	stream.indirect_vreg.gather [hbm4b:s8+s3], $0x80, v4, vm0, $0x2000b8;
	[tilespmem:$0x18100] =	vst v63  }
0x1b0: {  	s29 =	simm.s32 $0x13900  }
0x1b1: {  	[tilespmem:s29], [sflag:$0x9] =	stream.indirect_vreg.gather [hbm4b:s1+s3], $0x80, v3, vm0, $0x2000b8;
	[tilespmem:$0x18100] =	vst v63  }
0x1b2: {  	s30 =	simm.s32 $0x14100  }
0x1b3: {  	[tilespmem:s30], [sflag:$0x9] =	stream.indirect_vreg.gather [hbm4b:s7+s3], $0x80, v3, vm0, $0x2000b8;
	[tilespmem:$0x18100] =	vst v63  }
0x1b4: {  	s31 =	simm.s32 $0x14900  }
0x1b5: {  	[tilespmem:s31], [sflag:$0x9] =	stream.indirect_vreg.gather [hbm4b:s8+s3], $0x80, v3, vm0, $0x2000b8;
	[tilespmem:$0x18100] =	vst v63  }
0x1b6: {  	v3 =	vld [tilespmem:$0xF0];
	_ =	sdelay $0x4  }
0x1b7: {  	v63 =	vshrl.u32 v3, $0x3  }
0x1b8: {  	v4 =	vmul.u32 $0x30, v63  }
0x1b9: {  	v3 =	vand.u32 $0x7, v3  }
0x1ba: {  	v3 =	vor.u32 v3, v4  }
0x1bb: {  	v4 =	vperm.xlane v3, v0;
	_ =	sdelay $0x1  }
0x1bc: {  	v4 =	vadd.s32 v1, v4;
	_ =	sdelay $0x3  }
0x1bd: {  	s4 =	simm.s32 $0x15100;
	v3 =	vperm.xlane v3, v2  }
0x1be: {  	[tilespmem:s4], [sflag:$0x9] =	stream.indirect_vreg.gather [hbm4b:s1+s3], $0x80, v4, vm0, $0x2000b8;
	[tilespmem:$0x18100] =	vst v63  }
0x1bf: {  	s29 =	simm.s32 $0x15900;
	v3 =	vadd.s32 v1, v3  }
0x1c0: {  	[tilespmem:s29], [sflag:$0x9] =	stream.indirect_vreg.gather [hbm4b:s7+s3], $0x80, v4, vm0, $0x2000b8;
	[tilespmem:$0x18100] =	vst v63  }
0x1c1: {  	s30 =	simm.s32 $0x16100  }
0x1c2: {  	[tilespmem:s30], [sflag:$0x9] =	stream.indirect_vreg.gather [hbm4b:s8+s3], $0x80, v4, vm0, $0x2000b8;
	[tilespmem:$0x18100] =	vst v63  }
0x1c3: {  	s31 =	simm.s32 $0x16900  }
0x1c4: {  	[tilespmem:s31], [sflag:$0x9] =	stream.indirect_vreg.gather [hbm4b:s1+s3], $0x80, v3, vm0, $0x2000b8;
	[tilespmem:$0x18100] =	vst v63  }
0x1c5: {  	s4 =	simm.s32 $0x17100  }
0x1c6: {  	[tilespmem:s4], [sflag:$0x9] =	stream.indirect_vreg.gather [hbm4b:s7+s3], $0x80, v3, vm0, $0x2000b8;
	[tilespmem:$0x18100] =	vst v63  }
0x1c7: {  	s29 =	simm.s32 $0x17900  }
0x1c8: {  	[tilespmem:s29], [sflag:$0x9] =	stream.indirect_vreg.gather [hbm4b:s8+s3], $0x80, v3, vm0, $0x2000b8;
	[tilespmem:$0x18100] =	vst v63  }
0x1c9: {  	_ =	strace $0x90000053  }
0x1ca: {  	_ =	strace $0x80000054  }
0x1cb: {  	_ =	swait.ge [sflag:s11], $0x6000  }
0x1cc: {  	[sflag:s11] =	ssyncset.done $0x0  }
0x1cd: {  	[sflag:s11] =	ssyncadd.s32 $0xFFFFA000  }
0x1ce: {  	_ =	strace $0x90000054  }
0x1cf: {  	s30 =	rddreg [dreg:$0xe]  }
0x1d0: {  	[hbm4b:s30+s3] =	stream.linear.scatter [tilespmem:s14], [sflag:$0xC], $0x6000, $0x38;
	[tilespmem:$0x18100] =	vst v63  }
0x1d1: {  	_ =	strace $0x80000055  }
0x1d2: {  	_ =	swait.ge [sflag:s18], $0x6000  }
0x1d3: {  	[sflag:s18] =	ssyncset.done $0x0  }
0x1d4: {  	[sflag:s18] =	ssyncadd.s32 $0xFFFFA000  }
0x1d5: {  	_ =	strace $0x90000055  }
0x1d6: {  	s31 =	rddreg [dreg:$0xf]  }
0x1d7: {  	[hbm4b:s31+s3] =	stream.linear.scatter [tilespmem:s15], [sflag:$0xD], $0x6000, $0x38;
	[tilespmem:$0x18100] =	vst v63  }
0x1d8: {  	_ =	swait.ge [sflag:s5], $0x6000  }
0x1d9: {  	[sflag:s5] =	ssyncset.done $0x0  }
0x1da: {  	[sflag:s5] =	ssyncadd.s32 $0xFFFFA000  }
0x1db: {  	_ =	swait.ge [sflag:s26], $0x6000  }
0x1dc: {  	[sflag:s26] =	ssyncset.done $0x0  }
0x1dd: {  	[sflag:s26] =	ssyncadd.s32 $0xFFFFA000  }
0x1de: {  	p0 =	sne.s32 s9, $0x1;
	_ =	swait.ge [sflag:s17], $0x6000  }
.Ltmp0:
0x1df: {  	[sflag:s17] =	ssyncset.done $0x0;
	(pc) =	sbr.rel @p0 .LBB2_1-.Ltmp0, $4  }
0x1e0: {  	[sflag:s17] =	ssyncadd.s32 $0xFFFFA000  }
0x1e1: {  	_ =	swait.ge [sflag:s19], $0x6000  }
0x1e2: {  	[sflag:s19] =	ssyncset.done $0x0  }
0x1e3: {  	s9 =	sadd.s32 $0xFFFFFFFF, s9;
	[sflag:s19] =	ssyncadd.s32 $0xFFFFA000  }
0x1e4: {  	_ =	sfence.sel $0x180000  }
0x1e5: {  	[bflag:$0x0] =	sbarrier.arrive $0xFFFF  }
0x1e6: {  	_ =	strace $0x90000047  }
0x1e7: {  	s0 =	stileid.u32;
	[bflag:$0x2] =	sbarrier.arrive $0xFFFF  }
0x1e8: {  	p0 =	sne.s32 s0, $0x0;
	s0 =	rddreg [dreg:$0x4]  }
0x1e9: {  	s0 =	sadd.s32 @!p0 $0x100000, s0  }
0x1ea: {  	[sflag:s0] =	ssyncadd.tile.s32 @!p0 $0x1;
	_ =	shalt  }
.Lfunc_end2:
_tile_overlayer_lowered:
.L_overlay_start_2:
0x1eb: {  	(tag) =	ssettag $0x2  }
0x1ec: {  	s0 =	rddreg [dreg:$0x0];
	s2 =	stileid.u32  }
0x1ed: {  	s1 =	rddreg [dreg:$0x1];
	p0 =	sne.s32 s2, $0x0  }
0x1ee: {  	s3 =	rddreg [dreg:$0x2];
	[bflag:$0x3] =	sbarrier.arrive $0xFFFF;
	s2 =	simm.s32 @!p0 $0x1C0E  }
0x1ef: {  	[timem:s3], [sflag:s2] =	dma.local @!p0 [hbm:s0], s1  }
0x1f0: {  	s0 =	simm.s32 @!p0 $0xE  }
0x1f1: {  	_ =	swait.ge @!p0 [sflag:s0], s1  }
0x1f2: {  	s1 =	ssub.s32 @!p0 $0x0, s1;
	[sflag:s0] =	ssyncset.done @!p0 $0x0  }
0x1f3: {  	[sflag:s0] =	ssyncadd.s32 @!p0 s1  }
0x1f4: {  	[bflag:$0x3] =	sbarrier.arrive $0xFFFF  }
0x1f5: {  	_ =	shalt  }

</sc_bundles>
